<compile_context>
chip_gen: v7x
topology: tpu7x:2x2x1
jax: 0.10.2.dev20260603
libtpu: 0.0.44.dev20260713+nightly
codegen_flags: <defaults>
</compile_context>

<pallas_src>
import functools

import jax
import jax.numpy as jnp
from jax import lax
from jax.experimental import pallas as pl
from jax.experimental.pallas import tpu as pltpu
from jax.experimental.pallas import tpu_sc as plsc

N = 10000
E = 320000
D = 128

NC = 2
NS = 16
NW = NC * NS

CHUNK = 128
NQUAD = E // (4 * CHUNK)
TRIPS = -(-NQUAD // NW)
NPAD = 10240
ROWS_PER_TILE = NPAD // NS

_PREC = jax.lax.Precision.HIGHEST


def _spmm_sc(h, edges, zeros):
    mesh = plsc.VectorSubcoreMesh(core_axis_name="c", subcore_axis_name="s")

    @functools.partial(
        pl.kernel,
        out_type=jax.ShapeDtypeStruct((NC * NPAD, D), jnp.float32),
        mesh=mesh,
        scratch_types=[
            pltpu.VMEM((8, CHUNK), jnp.int32),
            pltpu.VMEM((CHUNK, D), jnp.float32),
            pltpu.VMEM((CHUNK, D), jnp.float32),
            pltpu.VMEM_SHARED((NPAD, D), jnp.float32),
            pltpu.SemaphoreType.DMA,
        ],
    )
    def spmm(h_hbm, edge_hbm, zeros_hbm, out_hbm,
             idx_v, rows_v, rows2_v, acc_sh, sem):
        c = lax.axis_index("c")
        s = lax.axis_index("s")
        wid = s * NC + c

        pltpu.sync_copy(zeros_hbm, acc_sh.at[pl.ds(s * ROWS_PER_TILE, ROWS_PER_TILE)])
        plsc.subcore_barrier()

        def body(t, carry):
            k = t * NW + wid

            @pl.when(k < NQUAD)
            def _():
                pltpu.sync_copy(edge_hbm.at[k], idx_v)
                pltpu.async_copy(h_hbm.at[idx_v.at[0]], rows_v, sem)
                pltpu.async_copy(h_hbm.at[idx_v.at[2]], rows2_v, sem)
                pltpu.make_async_copy(h_hbm.at[idx_v.at[0]], rows_v, sem).wait()
                pltpu.sync_copy(rows_v, acc_sh.at[idx_v.at[1]], add=True)
                pltpu.async_copy(h_hbm.at[idx_v.at[4]], rows_v, sem)
                pltpu.make_async_copy(h_hbm.at[idx_v.at[2]], rows2_v, sem).wait()
                pltpu.sync_copy(rows2_v, acc_sh.at[idx_v.at[3]], add=True)
                pltpu.async_copy(h_hbm.at[idx_v.at[6]], rows2_v, sem)
                pltpu.make_async_copy(h_hbm.at[idx_v.at[4]], rows_v, sem).wait()
                pltpu.sync_copy(rows_v, acc_sh.at[idx_v.at[5]], add=True)
                pltpu.make_async_copy(h_hbm.at[idx_v.at[6]], rows2_v, sem).wait()
                pltpu.sync_copy(rows2_v, acc_sh.at[idx_v.at[7]], add=True)

            return carry

        lax.fori_loop(0, TRIPS, body, 0)
        plsc.subcore_barrier()

        pltpu.sync_copy(
            acc_sh.at[pl.ds(s * ROWS_PER_TILE, ROWS_PER_TILE)],
            out_hbm.at[pl.ds(c * NPAD + s * ROWS_PER_TILE, ROWS_PER_TILE)],
        )

    return spmm(h, edges, zeros)


_R = 1000


def _mm_body(x_ref, w_ref, o_ref):
    o_ref[...] = jnp.dot(x_ref[...], w_ref[...],
                         preferred_element_type=jnp.float32, precision=_PREC)


def _mm(x, w):
    return pl.pallas_call(
        _mm_body,
        grid=(N // _R,),
        in_specs=[
            pl.BlockSpec((_R, D), lambda i: (i, 0)),
            pl.BlockSpec((D, D), lambda i: (0, 0)),
        ],
        out_specs=pl.BlockSpec((_R, D), lambda i: (i, 0)),
        out_shape=jax.ShapeDtypeStruct((N, D), jnp.float32),
    )(x, w)


def _combine_mm_body(p0_ref, p1_ref, b_ref, w_ref, o_ref):
    h = jax.nn.relu(p0_ref[...] + p1_ref[...] + b_ref[...])
    o_ref[...] = jnp.dot(h, w_ref[...],
                         preferred_element_type=jnp.float32, precision=_PREC)


def _combine_mm(p0, p1, b, w):
    return pl.pallas_call(
        _combine_mm_body,
        grid=(N // _R,),
        in_specs=[
            pl.BlockSpec((_R, D), lambda i: (i, 0)),
            pl.BlockSpec((_R, D), lambda i: (i, 0)),
            pl.BlockSpec((1, D), lambda i: (0, 0)),
            pl.BlockSpec((D, D), lambda i: (0, 0)),
        ],
        out_specs=pl.BlockSpec((_R, D), lambda i: (i, 0)),
        out_shape=jax.ShapeDtypeStruct((N, D), jnp.float32),
    )(p0, p1, b, w)


def _ff_body(q0_ref, q1_ref, b2_ref, wf1_ref, bf1_ref, wf2_ref, bf2_ref,
             wf3_ref, bf3_ref, ws_ref, bs_ref, o_ref):
    h = q0_ref[...] + q1_ref[...] + b2_ref[...]
    blk = jax.nn.relu(jnp.dot(h, wf1_ref[...],
                              preferred_element_type=jnp.float32,
                              precision=_PREC) + bf1_ref[...])
    blk = jax.nn.relu(jnp.dot(blk, wf2_ref[...],
                              preferred_element_type=jnp.float32,
                              precision=_PREC) + bf2_ref[...])
    blk = jnp.dot(blk, wf3_ref[...],
                  preferred_element_type=jnp.float32, precision=_PREC) + bf3_ref[...]
    sc = jnp.dot(h, ws_ref[...],
                 preferred_element_type=jnp.float32, precision=_PREC) + bs_ref[...]
    o_ref[...] = blk + sc


def _ff(q0, q1, b2, wf1, bf1, wf2, bf2, wf3, bf3, ws, bs):
    row = pl.BlockSpec((_R, D), lambda i: (i, 0))
    mat = pl.BlockSpec((D, D), lambda i: (0, 0))
    vec = pl.BlockSpec((1, D), lambda i: (0, 0))
    return pl.pallas_call(
        _ff_body,
        grid=(N // _R,),
        in_specs=[row, row, vec, mat, vec, mat, vec, mat, vec, mat, vec],
        out_specs=row,
        out_shape=jax.ShapeDtypeStruct((N, D), jnp.float32),
    )(q0, q1, b2, wf1, bf1, wf2, bf2, wf3, bf3, ws, bs)


def kernel(x, edge_index, W1, b1, W2, b2, Wf1, bf1, Wf2, bf2, Wf3, bf3, Ws, bs):
    src2 = edge_index[0].reshape(NQUAD, 4, 1, CHUNK)
    dst2 = edge_index[1].reshape(NQUAD, 4, 1, CHUNK)
    edges = jnp.concatenate([src2, dst2], axis=2).reshape(NQUAD, 8, CHUNK)
    zeros = jnp.zeros((ROWS_PER_TILE, D), jnp.float32)

    h1 = _mm(x, W1)
    p = _spmm_sc(h1, edges, zeros)
    h2 = _combine_mm(p[:N], p[NPAD:NPAD + N], b1.reshape(1, D), W2)
    q = _spmm_sc(h2, edges, zeros)
    out = _ff(q[:N], q[NPAD:NPAD + N], b2.reshape(1, D),
              Wf1, bf1.reshape(1, D), Wf2, bf2.reshape(1, D),
              Wf3, bf3.reshape(1, D), Ws, bs.reshape(1, D))
    return out

# --- scband reference (transcript-rebuilt; emitter-appended) ---
"""Pipeline reference for scband-encoder-90245852823923 (READ-ONLY COPY).

The authoritative reference and input builder live on the scoring server;
editing this copy changes nothing except your own understanding.
"""

import jax, jax.numpy as jnp
import numpy as np

N = 10000
E = 320000
D = 128


def _glorot(key, shape):
    lim = np.sqrt(6.0 / (shape[0] + shape[1]))
    return jax.random.uniform(key, shape, minval=-lim, maxval=lim, dtype=jnp.float32)


def setup_inputs(seed: int = 0) -> dict:
    key = jax.random.key(seed)
    ks = jax.random.split(key, 16)
    inp = {}
    inp['x'] = jax.random.normal(ks[0], (N, D), dtype=jnp.float32)
    inp['edge_index'] = jax.random.randint(ks[1], (2, E), 0, N, dtype=jnp.int32)
    # GCN layer weights (dimensions = [128, 128, 128] -> two GraphConvolution layers)
    inp['W1'] = _glorot(ks[2], (D, D))
    inp['b1'] = jnp.zeros((D,), dtype=jnp.float32)
    inp['W2'] = _glorot(ks[3], (D, D))
    inp['b2'] = jnp.zeros((D,), dtype=jnp.float32)
    # local_d FF head: 3-layer MLP block + linear shortcut
    inp['Wf1'] = _glorot(ks[4], (D, D))
    inp['bf1'] = jnp.zeros((D,), dtype=jnp.float32)
    inp['Wf2'] = _glorot(ks[5], (D, D))
    inp['bf2'] = jnp.zeros((D,), dtype=jnp.float32)
    inp['Wf3'] = _glorot(ks[6], (D, D))
    inp['bf3'] = jnp.zeros((D,), dtype=jnp.float32)
    inp['Ws'] = _glorot(ks[7], (D, D))
    inp['bs'] = jnp.zeros((D,), dtype=jnp.float32)
    return inp


def _spmm(edge_index, feats):
    # adjacency matmul: aggregate src features into dst nodes (scatter-add)
    src = edge_index[0]
    dst = edge_index[1]
    return jax.ops.segment_sum(feats[src], dst, num_segments=N)


def reference(x, edge_index, W1, b1, W2, b2, Wf1, bf1, Wf2, bf2, Wf3, bf3, Ws, bs):
    # Encoder forward, NODES path with actual_indices=None (name='gcn')
    # GraphConvolution layer 1: act=relu
    h = x @ W1
    h = _spmm(edge_index, h) + b1
    h = jax.nn.relu(h)
    # GraphConvolution layer 2 (final): act=identity
    h = h @ W2
    h = _spmm(edge_index, h) + b2
    # ff=True, typ=NODES -> hx = self.local_d(hx) (FF: mlp block + linear shortcut)
    blk = jax.nn.relu(h @ Wf1 + bf1)
    blk = jax.nn.relu(blk @ Wf2 + bf2)
    blk = blk @ Wf3 + bf3
    out = blk + (h @ Ws + bs)
    return out

if __name__ == "__main__":
    import jax
    _d = setup_inputs()
    print(jax.jit(kernel)(*tuple(_d.values())))

</pallas_src>

<mosaic_0001>
#map = affine_map<(d0, d1) -> (0, 0)>
#map1 = affine_map<(d0, d1) -> (0, 0, 0)>
module attributes {stable_mosaic.version = 14 : i64} {
  func.func @spmm(%arg0: i32, %arg1: i32, %arg2: memref<10000x128xf32, #tpu.memory_space<hbm>>, %arg3: memref<625x8x128xi32, #tpu.memory_space<hbm>>, %arg4: memref<640x128xf32, #tpu.memory_space<hbm>>, %arg5: memref<20480x128xf32, #tpu.memory_space<hbm>>, %arg6: memref<8x128xi32, #tpu.memory_space<vmem>>, %arg7: memref<128x128xf32, #tpu.memory_space<vmem>>, %arg8: memref<128x128xf32, #tpu.memory_space<vmem>>, %arg9: memref<10240x128xf32, #tpu.memory_space<vmem_shared>>, %arg10: memref<!tpu.dma_semaphore, #tpu.memory_space<semaphore_mem>>) attributes {dimension_semantics = [#tpu.dimension_semantics<core_parallel>, #tpu.dimension_semantics<subcore_parallel>], iteration_bounds = array<i64: 2, 16>, scalar_prefetch = 0 : i64, scratch_operands = 5 : i64, tpu.core_type = #tpu.core_type<sc_vector_subcore>, window_params = [{transform_indices = #map}, {transform_indices = #map1}, {transform_indices = #map}, {transform_indices = #map}]} {
    %mul3A = arith.constant 2 : i32
    %mul3A_0 = arith.muli %arg1, %mul3A : i32
    %add3A = arith.addi %mul3A_0, %arg0 : i32
    %mul3A_1 = arith.constant 640 : i32
    %mul3A_2 = arith.muli %arg1, %mul3A_1 : i32
    "tpu.region"() ({
      %run_scoped3A = tpu.sem_alloc : memref<!tpu.dma_semaphore, #tpu.memory_space<semaphore_mem>>
      %dma_start3A = arith.constant 0 : i32
      %dma_start3A_16 = tpu.memref_slice %arg9[%mul3A_2, %dma_start3A] : memref<10240x128xf32, #tpu.memory_space<vmem_shared>> -> memref<640x128xf32, #tpu.memory_space<vmem_shared>>
      tpu.enqueue_dma source(%arg4 : memref<640x128xf32, #tpu.memory_space<hbm>>) target(%dma_start3A_16 : memref<640x128xf32, #tpu.memory_space<vmem_shared>>) target_semaphore(%run_scoped3A : memref<!tpu.dma_semaphore, #tpu.memory_space<semaphore_mem>>)
      %dma_wait3A = arith.constant 0 : i32
      %dma_wait3A_17 = tpu.memref_slice %arg9[%mul3A_2, %dma_wait3A] : memref<10240x128xf32, #tpu.memory_space<vmem_shared>> -> memref<640x128xf32, #tpu.memory_space<vmem_shared>>
      tpu.wait_dma2 semaphore(%run_scoped3A : memref<!tpu.dma_semaphore, #tpu.memory_space<semaphore_mem>>) src(%arg4 : memref<640x128xf32, #tpu.memory_space<hbm>>) dst(%dma_wait3A_17 : memref<640x128xf32, #tpu.memory_space<vmem_shared>>)
      tpu.yield
    }) : () -> ()
    %barrier3A = arith.constant 0 : index
    tpu.barrier barrier_id(%barrier3A)
    %scan3A = arith.constant 0 : i32
    %scan3A_3 = arith.constant 0 : i32
    %scan3A_4 = arith.constant 20 : i32
    %scan3A_5 = arith.addi %scan3A_3, %scan3A_4 : i32
    %scan3A_6 = arith.constant 1 : i32
    scf.for %scan3A_16 = %scan3A_3 to %scan3A_5 step %scan3A_6  : i32 {
      %mul3A_17 = arith.constant 32 : i32
      %mul3A_18 = arith.muli %scan3A_16, %mul3A_17 : i32
      %add3A_19 = arith.addi %mul3A_18, %add3A : i32
      %lt3A = arith.constant 625 : i32
      %lt3A_20 = arith.cmpi slt, %add3A_19, %lt3A : i32
      %convert_element_type3A = arith.extui %lt3A_20 : i1 to i32
      %cond3A = arith.constant 0 : i32
      %cond3A_21 = arith.cmpi ne, %convert_element_type3A, %cond3A : i32
      scf.if %cond3A_21 {
        "tpu.region"() ({
          %run_scoped3A_79 = tpu.sem_alloc : memref<!tpu.dma_semaphore, #tpu.memory_space<semaphore_mem>>
          %dma_start3A_80 = arith.constant 0 : i32
          %dma_start3A_81 = arith.constant 0 : i32
          %dma_start3A_82 = tpu.memref_slice %arg3[%add3A_19, %dma_start3A_80, %dma_start3A_81] : memref<625x8x128xi32, #tpu.memory_space<hbm>> -> memref<1x8x128xi32, #tpu.memory_space<hbm>>
          %dma_start3A_83 = tpu.memref_squeeze %dma_start3A_82 : memref<1x8x128xi32, #tpu.memory_space<hbm>> -> memref<8x128xi32, #tpu.memory_space<hbm>>
          %dma_start3A_84 = arith.constant 0 : i32
          %dma_start3A_85 = arith.constant 0 : i32
          %dma_start3A_86 = tpu.memref_slice %arg3[%add3A_19, %dma_start3A_84, %dma_start3A_85] : memref<625x8x128xi32, #tpu.memory_space<hbm>> -> memref<1x8x128xi32, #tpu.memory_space<hbm>>
          %dma_start3A_87 = tpu.memref_squeeze %dma_start3A_86 : memref<1x8x128xi32, #tpu.memory_space<hbm>> -> memref<8x128xi32, #tpu.memory_space<hbm>>
          tpu.enqueue_dma source(%dma_start3A_87 : memref<8x128xi32, #tpu.memory_space<hbm>>) target(%arg6 : memref<8x128xi32, #tpu.memory_space<vmem>>) target_semaphore(%run_scoped3A_79 : memref<!tpu.dma_semaphore, #tpu.memory_space<semaphore_mem>>)
          %dma_wait3A_88 = arith.constant 0 : i32
          %dma_wait3A_89 = arith.constant 0 : i32
          %dma_wait3A_90 = tpu.memref_slice %arg3[%add3A_19, %dma_wait3A_88, %dma_wait3A_89] : memref<625x8x128xi32, #tpu.memory_space<hbm>> -> memref<1x8x128xi32, #tpu.memory_space<hbm>>
          %dma_wait3A_91 = tpu.memref_squeeze %dma_wait3A_90 : memref<1x8x128xi32, #tpu.memory_space<hbm>> -> memref<8x128xi32, #tpu.memory_space<hbm>>
          %dma_wait3A_92 = arith.constant 0 : i32
          %dma_wait3A_93 = arith.constant 0 : i32
          %dma_wait3A_94 = tpu.memref_slice %arg3[%add3A_19, %dma_wait3A_92, %dma_wait3A_93] : memref<625x8x128xi32, #tpu.memory_space<hbm>> -> memref<1x8x128xi32, #tpu.memory_space<hbm>>
          %dma_wait3A_95 = tpu.memref_squeeze %dma_wait3A_94 : memref<1x8x128xi32, #tpu.memory_space<hbm>> -> memref<8x128xi32, #tpu.memory_space<hbm>>
          tpu.wait_dma2 semaphore(%run_scoped3A_79 : memref<!tpu.dma_semaphore, #tpu.memory_space<semaphore_mem>>) src(%dma_wait3A_95 : memref<8x128xi32, #tpu.memory_space<hbm>>) dst(%arg6 : memref<8x128xi32, #tpu.memory_space<vmem>>)
          tpu.yield
        }) : () -> ()
        %dma_start3A = arith.constant 0 : i32
        %dma_start3A_22 = arith.constant 0 : i32
        %dma_start3A_23 = tpu.memref_slice %arg6[%dma_start3A, %dma_start3A_22] : memref<8x128xi32, #tpu.memory_space<vmem>> -> memref<1x128xi32, #tpu.memory_space<vmem>>
        %dma_start3A_24 = tpu.memref_squeeze %dma_start3A_23 : memref<1x128xi32, #tpu.memory_space<vmem>> -> memref<128xi32, #tpu.memory_space<vmem>>
        %dma_start3A_25 = arith.constant 0 : i32
        %dma_start3A_26 = arith.constant 0 : i32
        %dma_start3A_27 = tpu.memref_slice %arg2[%dma_start3A_25, %dma_start3A_26] : memref<10000x128xf32, #tpu.memory_space<hbm>> -> memref<10000x128xf32, #tpu.memory_space<hbm>>
        tpu.enqueue_indirect_dma source(%dma_start3A_27 : memref<10000x128xf32, #tpu.memory_space<hbm>>) target(%arg7 : memref<128x128xf32, #tpu.memory_space<vmem>>) offsets(%dma_start3A_24 : memref<128xi32, #tpu.memory_space<vmem>>) semaphore(%arg10 : memref<!tpu.dma_semaphore, #tpu.memory_space<semaphore_mem>>)
        %dma_start3A_28 = arith.constant 2 : i32
        %dma_start3A_29 = arith.constant 0 : i32
        %dma_start3A_30 = tpu.memref_slice %arg6[%dma_start3A_28, %dma_start3A_29] : memref<8x128xi32, #tpu.memory_space<vmem>> -> memref<1x128xi32, #tpu.memory_space<vmem>>
        %dma_start3A_31 = tpu.memref_squeeze %dma_start3A_30 : memref<1x128xi32, #tpu.memory_space<vmem>> -> memref<128xi32, #tpu.memory_space<vmem>>
        %dma_start3A_32 = arith.constant 0 : i32
        %dma_start3A_33 = arith.constant 0 : i32
        %dma_start3A_34 = tpu.memref_slice %arg2[%dma_start3A_32, %dma_start3A_33] : memref<10000x128xf32, #tpu.memory_space<hbm>> -> memref<10000x128xf32, #tpu.memory_space<hbm>>
        tpu.enqueue_indirect_dma source(%dma_start3A_34 : memref<10000x128xf32, #tpu.memory_space<hbm>>) target(%arg8 : memref<128x128xf32, #tpu.memory_space<vmem>>) offsets(%dma_start3A_31 : memref<128xi32, #tpu.memory_space<vmem>>) semaphore(%arg10 : memref<!tpu.dma_semaphore, #tpu.memory_space<semaphore_mem>>)
        %dma_wait3A = arith.constant 0 : i32
        %dma_wait3A_35 = arith.constant 0 : i32
        %dma_wait3A_36 = tpu.memref_slice %arg6[%dma_wait3A, %dma_wait3A_35] : memref<8x128xi32, #tpu.memory_space<vmem>> -> memref<1x128xi32, #tpu.memory_space<vmem>>
        %dma_wait3A_37 = tpu.memref_squeeze %dma_wait3A_36 : memref<1x128xi32, #tpu.memory_space<vmem>> -> memref<128xi32, #tpu.memory_space<vmem>>
        %dma_wait3A_38 = arith.constant 0 : i32
        %dma_wait3A_39 = arith.constant 0 : i32
        %dma_wait3A_40 = tpu.memref_slice %arg2[%dma_wait3A_38, %dma_wait3A_39] : memref<10000x128xf32, #tpu.memory_space<hbm>> -> memref<10000x128xf32, #tpu.memory_space<hbm>>
        tpu.wait_indirect_dma semaphore(%arg10 : memref<!tpu.dma_semaphore, #tpu.memory_space<semaphore_mem>>) src(%dma_wait3A_40 : memref<10000x128xf32, #tpu.memory_space<hbm>>) dst(%arg7 : memref<128x128xf32, #tpu.memory_space<vmem>>)
        %run_scoped3A = arith.constant 1 : i32
        "tpu.region"() ({
          %run_scoped3A_79 = tpu.sem_alloc : memref<!tpu.dma_semaphore, #tpu.memory_space<semaphore_mem>>
          %dma_start3A_80 = arith.constant 0 : i32
          %dma_start3A_81 = tpu.memref_slice %arg6[%run_scoped3A, %dma_start3A_80] : memref<8x128xi32, #tpu.memory_space<vmem>> -> memref<1x128xi32, #tpu.memory_space<vmem>>
          %dma_start3A_82 = tpu.memref_squeeze %dma_start3A_81 : memref<1x128xi32, #tpu.memory_space<vmem>> -> memref<128xi32, #tpu.memory_space<vmem>>
          %dma_start3A_83 = arith.constant 0 : i32
          %dma_start3A_84 = arith.constant 0 : i32
          %dma_start3A_85 = tpu.memref_slice %arg9[%dma_start3A_83, %dma_start3A_84] : memref<10240x128xf32, #tpu.memory_space<vmem_shared>> -> memref<10240x128xf32, #tpu.memory_space<vmem_shared>>
          tpu.enqueue_indirect_dma source(%arg7 : memref<128x128xf32, #tpu.memory_space<vmem>>) target(%dma_start3A_85 : memref<10240x128xf32, #tpu.memory_space<vmem_shared>>) offsets(%dma_start3A_82 : memref<128xi32, #tpu.memory_space<vmem>>) semaphore(%run_scoped3A_79 : memref<!tpu.dma_semaphore, #tpu.memory_space<semaphore_mem>>) {add = true}
          %dma_wait3A_86 = arith.constant 0 : i32
          %dma_wait3A_87 = tpu.memref_slice %arg6[%run_scoped3A, %dma_wait3A_86] : memref<8x128xi32, #tpu.memory_space<vmem>> -> memref<1x128xi32, #tpu.memory_space<vmem>>
          %dma_wait3A_88 = tpu.memref_squeeze %dma_wait3A_87 : memref<1x128xi32, #tpu.memory_space<vmem>> -> memref<128xi32, #tpu.memory_space<vmem>>
          %dma_wait3A_89 = arith.constant 0 : i32
          %dma_wait3A_90 = arith.constant 0 : i32
          %dma_wait3A_91 = tpu.memref_slice %arg9[%dma_wait3A_89, %dma_wait3A_90] : memref<10240x128xf32, #tpu.memory_space<vmem_shared>> -> memref<10240x128xf32, #tpu.memory_space<vmem_shared>>
          tpu.wait_indirect_dma semaphore(%run_scoped3A_79 : memref<!tpu.dma_semaphore, #tpu.memory_space<semaphore_mem>>) src(%arg7 : memref<128x128xf32, #tpu.memory_space<vmem>>) dst(%dma_wait3A_91 : memref<10240x128xf32, #tpu.memory_space<vmem_shared>>)
          tpu.yield
        }) : () -> ()
        %dma_start3A_41 = arith.constant 4 : i32
        %dma_start3A_42 = arith.constant 0 : i32
        %dma_start3A_43 = tpu.memref_slice %arg6[%dma_start3A_41, %dma_start3A_42] : memref<8x128xi32, #tpu.memory_space<vmem>> -> memref<1x128xi32, #tpu.memory_space<vmem>>
        %dma_start3A_44 = tpu.memref_squeeze %dma_start3A_43 : memref<1x128xi32, #tpu.memory_space<vmem>> -> memref<128xi32, #tpu.memory_space<vmem>>
        %dma_start3A_45 = arith.constant 0 : i32
        %dma_start3A_46 = arith.constant 0 : i32
        %dma_start3A_47 = tpu.memref_slice %arg2[%dma_start3A_45, %dma_start3A_46] : memref<10000x128xf32, #tpu.memory_space<hbm>> -> memref<10000x128xf32, #tpu.memory_space<hbm>>
        tpu.enqueue_indirect_dma source(%dma_start3A_47 : memref<10000x128xf32, #tpu.memory_space<hbm>>) target(%arg7 : memref<128x128xf32, #tpu.memory_space<vmem>>) offsets(%dma_start3A_44 : memref<128xi32, #tpu.memory_space<vmem>>) semaphore(%arg10 : memref<!tpu.dma_semaphore, #tpu.memory_space<semaphore_mem>>)
        %dma_wait3A_48 = arith.constant 2 : i32
        %dma_wait3A_49 = arith.constant 0 : i32
        %dma_wait3A_50 = tpu.memref_slice %arg6[%dma_wait3A_48, %dma_wait3A_49] : memref<8x128xi32, #tpu.memory_space<vmem>> -> memref<1x128xi32, #tpu.memory_space<vmem>>
        %dma_wait3A_51 = tpu.memref_squeeze %dma_wait3A_50 : memref<1x128xi32, #tpu.memory_space<vmem>> -> memref<128xi32, #tpu.memory_space<vmem>>
        %dma_wait3A_52 = arith.constant 0 : i32
        %dma_wait3A_53 = arith.constant 0 : i32
        %dma_wait3A_54 = tpu.memref_slice %arg2[%dma_wait3A_52, %dma_wait3A_53] : memref<10000x128xf32, #tpu.memory_space<hbm>> -> memref<10000x128xf32, #tpu.memory_space<hbm>>
        tpu.wait_indirect_dma semaphore(%arg10 : memref<!tpu.dma_semaphore, #tpu.memory_space<semaphore_mem>>) src(%dma_wait3A_54 : memref<10000x128xf32, #tpu.memory_space<hbm>>) dst(%arg8 : memref<128x128xf32, #tpu.memory_space<vmem>>)
        %run_scoped3A_55 = arith.constant 3 : i32
        "tpu.region"() ({
          %run_scoped3A_79 = tpu.sem_alloc : memref<!tpu.dma_semaphore, #tpu.memory_space<semaphore_mem>>
          %dma_start3A_80 = arith.constant 0 : i32
          %dma_start3A_81 = tpu.memref_slice %arg6[%run_scoped3A_55, %dma_start3A_80] : memref<8x128xi32, #tpu.memory_space<vmem>> -> memref<1x128xi32, #tpu.memory_space<vmem>>
          %dma_start3A_82 = tpu.memref_squeeze %dma_start3A_81 : memref<1x128xi32, #tpu.memory_space<vmem>> -> memref<128xi32, #tpu.memory_space<vmem>>
          %dma_start3A_83 = arith.constant 0 : i32
          %dma_start3A_84 = arith.constant 0 : i32
          %dma_start3A_85 = tpu.memref_slice %arg9[%dma_start3A_83, %dma_start3A_84] : memref<10240x128xf32, #tpu.memory_space<vmem_shared>> -> memref<10240x128xf32, #tpu.memory_space<vmem_shared>>
          tpu.enqueue_indirect_dma source(%arg8 : memref<128x128xf32, #tpu.memory_space<vmem>>) target(%dma_start3A_85 : memref<10240x128xf32, #tpu.memory_space<vmem_shared>>) offsets(%dma_start3A_82 : memref<128xi32, #tpu.memory_space<vmem>>) semaphore(%run_scoped3A_79 : memref<!tpu.dma_semaphore, #tpu.memory_space<semaphore_mem>>) {add = true}
          %dma_wait3A_86 = arith.constant 0 : i32
          %dma_wait3A_87 = tpu.memref_slice %arg6[%run_scoped3A_55, %dma_wait3A_86] : memref<8x128xi32, #tpu.memory_space<vmem>> -> memref<1x128xi32, #tpu.memory_space<vmem>>
          %dma_wait3A_88 = tpu.memref_squeeze %dma_wait3A_87 : memref<1x128xi32, #tpu.memory_space<vmem>> -> memref<128xi32, #tpu.memory_space<vmem>>
          %dma_wait3A_89 = arith.constant 0 : i32
          %dma_wait3A_90 = arith.constant 0 : i32
          %dma_wait3A_91 = tpu.memref_slice %arg9[%dma_wait3A_89, %dma_wait3A_90] : memref<10240x128xf32, #tpu.memory_space<vmem_shared>> -> memref<10240x128xf32, #tpu.memory_space<vmem_shared>>
          tpu.wait_indirect_dma semaphore(%run_scoped3A_79 : memref<!tpu.dma_semaphore, #tpu.memory_space<semaphore_mem>>) src(%arg8 : memref<128x128xf32, #tpu.memory_space<vmem>>) dst(%dma_wait3A_91 : memref<10240x128xf32, #tpu.memory_space<vmem_shared>>)
          tpu.yield
        }) : () -> ()
        %dma_start3A_56 = arith.constant 6 : i32
        %dma_start3A_57 = arith.constant 0 : i32
        %dma_start3A_58 = tpu.memref_slice %arg6[%dma_start3A_56, %dma_start3A_57] : memref<8x128xi32, #tpu.memory_space<vmem>> -> memref<1x128xi32, #tpu.memory_space<vmem>>
        %dma_start3A_59 = tpu.memref_squeeze %dma_start3A_58 : memref<1x128xi32, #tpu.memory_space<vmem>> -> memref<128xi32, #tpu.memory_space<vmem>>
        %dma_start3A_60 = arith.constant 0 : i32
        %dma_start3A_61 = arith.constant 0 : i32
        %dma_start3A_62 = tpu.memref_slice %arg2[%dma_start3A_60, %dma_start3A_61] : memref<10000x128xf32, #tpu.memory_space<hbm>> -> memref<10000x128xf32, #tpu.memory_space<hbm>>
        tpu.enqueue_indirect_dma source(%dma_start3A_62 : memref<10000x128xf32, #tpu.memory_space<hbm>>) target(%arg8 : memref<128x128xf32, #tpu.memory_space<vmem>>) offsets(%dma_start3A_59 : memref<128xi32, #tpu.memory_space<vmem>>) semaphore(%arg10 : memref<!tpu.dma_semaphore, #tpu.memory_space<semaphore_mem>>)
        %dma_wait3A_63 = arith.constant 4 : i32
        %dma_wait3A_64 = arith.constant 0 : i32
        %dma_wait3A_65 = tpu.memref_slice %arg6[%dma_wait3A_63, %dma_wait3A_64] : memref<8x128xi32, #tpu.memory_space<vmem>> -> memref<1x128xi32, #tpu.memory_space<vmem>>
        %dma_wait3A_66 = tpu.memref_squeeze %dma_wait3A_65 : memref<1x128xi32, #tpu.memory_space<vmem>> -> memref<128xi32, #tpu.memory_space<vmem>>
        %dma_wait3A_67 = arith.constant 0 : i32
        %dma_wait3A_68 = arith.constant 0 : i32
        %dma_wait3A_69 = tpu.memref_slice %arg2[%dma_wait3A_67, %dma_wait3A_68] : memref<10000x128xf32, #tpu.memory_space<hbm>> -> memref<10000x128xf32, #tpu.memory_space<hbm>>
        tpu.wait_indirect_dma semaphore(%arg10 : memref<!tpu.dma_semaphore, #tpu.memory_space<semaphore_mem>>) src(%dma_wait3A_69 : memref<10000x128xf32, #tpu.memory_space<hbm>>) dst(%arg7 : memref<128x128xf32, #tpu.memory_space<vmem>>)
        %run_scoped3A_70 = arith.constant 5 : i32
        "tpu.region"() ({
          %run_scoped3A_79 = tpu.sem_alloc : memref<!tpu.dma_semaphore, #tpu.memory_space<semaphore_mem>>
          %dma_start3A_80 = arith.constant 0 : i32
          %dma_start3A_81 = tpu.memref_slice %arg6[%run_scoped3A_70, %dma_start3A_80] : memref<8x128xi32, #tpu.memory_space<vmem>> -> memref<1x128xi32, #tpu.memory_space<vmem>>
          %dma_start3A_82 = tpu.memref_squeeze %dma_start3A_81 : memref<1x128xi32, #tpu.memory_space<vmem>> -> memref<128xi32, #tpu.memory_space<vmem>>
          %dma_start3A_83 = arith.constant 0 : i32
          %dma_start3A_84 = arith.constant 0 : i32
          %dma_start3A_85 = tpu.memref_slice %arg9[%dma_start3A_83, %dma_start3A_84] : memref<10240x128xf32, #tpu.memory_space<vmem_shared>> -> memref<10240x128xf32, #tpu.memory_space<vmem_shared>>
          tpu.enqueue_indirect_dma source(%arg7 : memref<128x128xf32, #tpu.memory_space<vmem>>) target(%dma_start3A_85 : memref<10240x128xf32, #tpu.memory_space<vmem_shared>>) offsets(%dma_start3A_82 : memref<128xi32, #tpu.memory_space<vmem>>) semaphore(%run_scoped3A_79 : memref<!tpu.dma_semaphore, #tpu.memory_space<semaphore_mem>>) {add = true}
          %dma_wait3A_86 = arith.constant 0 : i32
          %dma_wait3A_87 = tpu.memref_slice %arg6[%run_scoped3A_70, %dma_wait3A_86] : memref<8x128xi32, #tpu.memory_space<vmem>> -> memref<1x128xi32, #tpu.memory_space<vmem>>
          %dma_wait3A_88 = tpu.memref_squeeze %dma_wait3A_87 : memref<1x128xi32, #tpu.memory_space<vmem>> -> memref<128xi32, #tpu.memory_space<vmem>>
          %dma_wait3A_89 = arith.constant 0 : i32
          %dma_wait3A_90 = arith.constant 0 : i32
          %dma_wait3A_91 = tpu.memref_slice %arg9[%dma_wait3A_89, %dma_wait3A_90] : memref<10240x128xf32, #tpu.memory_space<vmem_shared>> -> memref<10240x128xf32, #tpu.memory_space<vmem_shared>>
          tpu.wait_indirect_dma semaphore(%run_scoped3A_79 : memref<!tpu.dma_semaphore, #tpu.memory_space<semaphore_mem>>) src(%arg7 : memref<128x128xf32, #tpu.memory_space<vmem>>) dst(%dma_wait3A_91 : memref<10240x128xf32, #tpu.memory_space<vmem_shared>>)
          tpu.yield
        }) : () -> ()
        %dma_wait3A_71 = arith.constant 6 : i32
        %dma_wait3A_72 = arith.constant 0 : i32
        %dma_wait3A_73 = tpu.memref_slice %arg6[%dma_wait3A_71, %dma_wait3A_72] : memref<8x128xi32, #tpu.memory_space<vmem>> -> memref<1x128xi32, #tpu.memory_space<vmem>>
        %dma_wait3A_74 = tpu.memref_squeeze %dma_wait3A_73 : memref<1x128xi32, #tpu.memory_space<vmem>> -> memref<128xi32, #tpu.memory_space<vmem>>
        %dma_wait3A_75 = arith.constant 0 : i32
        %dma_wait3A_76 = arith.constant 0 : i32
        %dma_wait3A_77 = tpu.memref_slice %arg2[%dma_wait3A_75, %dma_wait3A_76] : memref<10000x128xf32, #tpu.memory_space<hbm>> -> memref<10000x128xf32, #tpu.memory_space<hbm>>
        tpu.wait_indirect_dma semaphore(%arg10 : memref<!tpu.dma_semaphore, #tpu.memory_space<semaphore_mem>>) src(%dma_wait3A_77 : memref<10000x128xf32, #tpu.memory_space<hbm>>) dst(%arg8 : memref<128x128xf32, #tpu.memory_space<vmem>>)
        %run_scoped3A_78 = arith.constant 7 : i32
        "tpu.region"() ({
          %run_scoped3A_79 = tpu.sem_alloc : memref<!tpu.dma_semaphore, #tpu.memory_space<semaphore_mem>>
          %dma_start3A_80 = arith.constant 0 : i32
          %dma_start3A_81 = tpu.memref_slice %arg6[%run_scoped3A_78, %dma_start3A_80] : memref<8x128xi32, #tpu.memory_space<vmem>> -> memref<1x128xi32, #tpu.memory_space<vmem>>
          %dma_start3A_82 = tpu.memref_squeeze %dma_start3A_81 : memref<1x128xi32, #tpu.memory_space<vmem>> -> memref<128xi32, #tpu.memory_space<vmem>>
          %dma_start3A_83 = arith.constant 0 : i32
          %dma_start3A_84 = arith.constant 0 : i32
          %dma_start3A_85 = tpu.memref_slice %arg9[%dma_start3A_83, %dma_start3A_84] : memref<10240x128xf32, #tpu.memory_space<vmem_shared>> -> memref<10240x128xf32, #tpu.memory_space<vmem_shared>>
          tpu.enqueue_indirect_dma source(%arg8 : memref<128x128xf32, #tpu.memory_space<vmem>>) target(%dma_start3A_85 : memref<10240x128xf32, #tpu.memory_space<vmem_shared>>) offsets(%dma_start3A_82 : memref<128xi32, #tpu.memory_space<vmem>>) semaphore(%run_scoped3A_79 : memref<!tpu.dma_semaphore, #tpu.memory_space<semaphore_mem>>) {add = true}
          %dma_wait3A_86 = arith.constant 0 : i32
          %dma_wait3A_87 = tpu.memref_slice %arg6[%run_scoped3A_78, %dma_wait3A_86] : memref<8x128xi32, #tpu.memory_space<vmem>> -> memref<1x128xi32, #tpu.memory_space<vmem>>
          %dma_wait3A_88 = tpu.memref_squeeze %dma_wait3A_87 : memref<1x128xi32, #tpu.memory_space<vmem>> -> memref<128xi32, #tpu.memory_space<vmem>>
          %dma_wait3A_89 = arith.constant 0 : i32
          %dma_wait3A_90 = arith.constant 0 : i32
          %dma_wait3A_91 = tpu.memref_slice %arg9[%dma_wait3A_89, %dma_wait3A_90] : memref<10240x128xf32, #tpu.memory_space<vmem_shared>> -> memref<10240x128xf32, #tpu.memory_space<vmem_shared>>
          tpu.wait_indirect_dma semaphore(%run_scoped3A_79 : memref<!tpu.dma_semaphore, #tpu.memory_space<semaphore_mem>>) src(%arg8 : memref<128x128xf32, #tpu.memory_space<vmem>>) dst(%dma_wait3A_91 : memref<10240x128xf32, #tpu.memory_space<vmem_shared>>)
          tpu.yield
        }) : () -> ()
      } else {
      }
    }
    %scan3A_7 = arith.constant 20 : i32
    %barrier3A_8 = arith.constant 0 : index
    tpu.barrier barrier_id(%barrier3A_8)
    %mul3A_9 = arith.constant 640 : i32
    %mul3A_10 = arith.muli %arg1, %mul3A_9 : i32
    %mul3A_11 = arith.constant 10240 : i32
    %mul3A_12 = arith.muli %arg0, %mul3A_11 : i32
    %mul3A_13 = arith.constant 640 : i32
    %mul3A_14 = arith.muli %arg1, %mul3A_13 : i32
    %add3A_15 = arith.addi %mul3A_12, %mul3A_14 : i32
    "tpu.region"() ({
      %run_scoped3A = tpu.sem_alloc : memref<!tpu.dma_semaphore, #tpu.memory_space<semaphore_mem>>
      %dma_start3A = arith.constant 0 : i32
      %dma_start3A_16 = tpu.memref_slice %arg5[%add3A_15, %dma_start3A] : memref<20480x128xf32, #tpu.memory_space<hbm>> -> memref<640x128xf32, #tpu.memory_space<hbm>>
      %dma_start3A_17 = arith.constant 0 : i32
      %dma_start3A_18 = tpu.memref_slice %arg9[%mul3A_10, %dma_start3A_17] : memref<10240x128xf32, #tpu.memory_space<vmem_shared>> -> memref<640x128xf32, #tpu.memory_space<vmem_shared>>
      tpu.enqueue_dma source(%dma_start3A_18 : memref<640x128xf32, #tpu.memory_space<vmem_shared>>) target(%dma_start3A_16 : memref<640x128xf32, #tpu.memory_space<hbm>>) target_semaphore(%run_scoped3A : memref<!tpu.dma_semaphore, #tpu.memory_space<semaphore_mem>>)
      %dma_wait3A = arith.constant 0 : i32
      %dma_wait3A_19 = tpu.memref_slice %arg5[%add3A_15, %dma_wait3A] : memref<20480x128xf32, #tpu.memory_space<hbm>> -> memref<640x128xf32, #tpu.memory_space<hbm>>
      %dma_wait3A_20 = arith.constant 0 : i32
      %dma_wait3A_21 = tpu.memref_slice %arg9[%mul3A_10, %dma_wait3A_20] : memref<10240x128xf32, #tpu.memory_space<vmem_shared>> -> memref<640x128xf32, #tpu.memory_space<vmem_shared>>
      tpu.wait_dma2 semaphore(%run_scoped3A : memref<!tpu.dma_semaphore, #tpu.memory_space<semaphore_mem>>) src(%dma_wait3A_21 : memref<640x128xf32, #tpu.memory_space<vmem_shared>>) dst(%dma_wait3A_19 : memref<640x128xf32, #tpu.memory_space<hbm>>)
      tpu.yield
    }) : () -> ()
    return
  }
}

#map = affine_map<(d0, d1) -> (0, 0)>
#map1 = affine_map<(d0, d1) -> (0, 0, 0)>
module attributes {stable_mosaic.version = 14 : i64} {
  func.func @spmm(%arg0: i32, %arg1: i32, %arg2: memref<10000x128xf32, #tpu.memory_space<hbm>>, %arg3: memref<625x8x128xi32, #tpu.memory_space<hbm>>, %arg4: memref<640x128xf32, #tpu.memory_space<hbm>>, %arg5: memref<20480x128xf32, #tpu.memory_space<hbm>>, %arg6: memref<8x128xi32, #tpu.memory_space<vmem>>, %arg7: memref<128x128xf32, #tpu.memory_space<vmem>>, %arg8: memref<128x128xf32, #tpu.memory_space<vmem>>, %arg9: memref<10240x128xf32, #tpu.memory_space<vmem_shared>>, %arg10: memref<!tpu.dma_semaphore, #tpu.memory_space<semaphore_mem>>) attributes {dimension_semantics = [#tpu.dimension_semantics<core_parallel>, #tpu.dimension_semantics<subcore_parallel>], iteration_bounds = array<i64: 2, 16>, scalar_prefetch = 0 : i64, scratch_operands = 5 : i64, tpu.core_type = #tpu.core_type<sc_vector_subcore>, window_params = [{transform_indices = #map}, {transform_indices = #map1}, {transform_indices = #map}, {transform_indices = #map}]} {
    %mul3A = arith.constant 2 : i32
    %mul3A_0 = arith.muli %arg1, %mul3A : i32
    %add3A = arith.addi %mul3A_0, %arg0 : i32
    %mul3A_1 = arith.constant 640 : i32
    %mul3A_2 = arith.muli %arg1, %mul3A_1 : i32
    "tpu.region"() ({
      %run_scoped3A = tpu.sem_alloc : memref<!tpu.dma_semaphore, #tpu.memory_space<semaphore_mem>>
      %dma_start3A = arith.constant 0 : i32
      %dma_start3A_16 = tpu.memref_slice %arg9[%mul3A_2, %dma_start3A] : memref<10240x128xf32, #tpu.memory_space<vmem_shared>> -> memref<640x128xf32, #tpu.memory_space<vmem_shared>>
      tpu.enqueue_dma source(%arg4 : memref<640x128xf32, #tpu.memory_space<hbm>>) target(%dma_start3A_16 : memref<640x128xf32, #tpu.memory_space<vmem_shared>>) target_semaphore(%run_scoped3A : memref<!tpu.dma_semaphore, #tpu.memory_space<semaphore_mem>>)
      %dma_wait3A = arith.constant 0 : i32
      %dma_wait3A_17 = tpu.memref_slice %arg9[%mul3A_2, %dma_wait3A] : memref<10240x128xf32, #tpu.memory_space<vmem_shared>> -> memref<640x128xf32, #tpu.memory_space<vmem_shared>>
      tpu.wait_dma2 semaphore(%run_scoped3A : memref<!tpu.dma_semaphore, #tpu.memory_space<semaphore_mem>>) src(%arg4 : memref<640x128xf32, #tpu.memory_space<hbm>>) dst(%dma_wait3A_17 : memref<640x128xf32, #tpu.memory_space<vmem_shared>>)
      tpu.yield
    }) : () -> ()
    %barrier3A = arith.constant 0 : index
    tpu.barrier barrier_id(%barrier3A)
    %scan3A = arith.constant 0 : i32
    %scan3A_3 = arith.constant 0 : i32
    %scan3A_4 = arith.constant 20 : i32
    %scan3A_5 = arith.addi %scan3A_3, %scan3A_4 : i32
    %scan3A_6 = arith.constant 1 : i32
    scf.for %scan3A_16 = %scan3A_3 to %scan3A_5 step %scan3A_6  : i32 {
      %mul3A_17 = arith.constant 32 : i32
      %mul3A_18 = arith.muli %scan3A_16, %mul3A_17 : i32
      %add3A_19 = arith.addi %mul3A_18, %add3A : i32
      %lt3A = arith.constant 625 : i32
      %lt3A_20 = arith.cmpi slt, %add3A_19, %lt3A : i32
      %convert_element_type3A = arith.extui %lt3A_20 : i1 to i32
      %cond3A = arith.constant 0 : i32
      %cond3A_21 = arith.cmpi ne, %convert_element_type3A, %cond3A : i32
      scf.if %cond3A_21 {
        "tpu.region"() ({
          %run_scoped3A_79 = tpu.sem_alloc : memref<!tpu.dma_semaphore, #tpu.memory_space<semaphore_mem>>
          %dma_start3A_80 = arith.constant 0 : i32
          %dma_start3A_81 = arith.constant 0 : i32
          %dma_start3A_82 = tpu.memref_slice %arg3[%add3A_19, %dma_start3A_80, %dma_start3A_81] : memref<625x8x128xi32, #tpu.memory_space<hbm>> -> memref<1x8x128xi32, #tpu.memory_space<hbm>>
          %dma_start3A_83 = tpu.memref_squeeze %dma_start3A_82 : memref<1x8x128xi32, #tpu.memory_space<hbm>> -> memref<8x128xi32, #tpu.memory_space<hbm>>
          %dma_start3A_84 = arith.constant 0 : i32
          %dma_start3A_85 = arith.constant 0 : i32
          %dma_start3A_86 = tpu.memref_slice %arg3[%add3A_19, %dma_start3A_84, %dma_start3A_85] : memref<625x8x128xi32, #tpu.memory_space<hbm>> -> memref<1x8x128xi32, #tpu.memory_space<hbm>>
          %dma_start3A_87 = tpu.memref_squeeze %dma_start3A_86 : memref<1x8x128xi32, #tpu.memory_space<hbm>> -> memref<8x128xi32, #tpu.memory_space<hbm>>
          tpu.enqueue_dma source(%dma_start3A_87 : memref<8x128xi32, #tpu.memory_space<hbm>>) target(%arg6 : memref<8x128xi32, #tpu.memory_space<vmem>>) target_semaphore(%run_scoped3A_79 : memref<!tpu.dma_semaphore, #tpu.memory_space<semaphore_mem>>)
          %dma_wait3A_88 = arith.constant 0 : i32
          %dma_wait3A_89 = arith.constant 0 : i32
          %dma_wait3A_90 = tpu.memref_slice %arg3[%add3A_19, %dma_wait3A_88, %dma_wait3A_89] : memref<625x8x128xi32, #tpu.memory_space<hbm>> -> memref<1x8x128xi32, #tpu.memory_space<hbm>>
          %dma_wait3A_91 = tpu.memref_squeeze %dma_wait3A_90 : memref<1x8x128xi32, #tpu.memory_space<hbm>> -> memref<8x128xi32, #tpu.memory_space<hbm>>
          %dma_wait3A_92 = arith.constant 0 : i32
          %dma_wait3A_93 = arith.constant 0 : i32
          %dma_wait3A_94 = tpu.memref_slice %arg3[%add3A_19, %dma_wait3A_92, %dma_wait3A_93] : memref<625x8x128xi32, #tpu.memory_space<hbm>> -> memref<1x8x128xi32, #tpu.memory_space<hbm>>
          %dma_wait3A_95 = tpu.memref_squeeze %dma_wait3A_94 : memref<1x8x128xi32, #tpu.memory_space<hbm>> -> memref<8x128xi32, #tpu.memory_space<hbm>>
          tpu.wait_dma2 semaphore(%run_scoped3A_79 : memref<!tpu.dma_semaphore, #tpu.memory_space<semaphore_mem>>) src(%dma_wait3A_95 : memref<8x128xi32, #tpu.memory_space<hbm>>) dst(%arg6 : memref<8x128xi32, #tpu.memory_space<vmem>>)
          tpu.yield
        }) : () -> ()
        %dma_start3A = arith.constant 0 : i32
        %dma_start3A_22 = arith.constant 0 : i32
        %dma_start3A_23 = tpu.memref_slice %arg6[%dma_start3A, %dma_start3A_22] : memref<8x128xi32, #tpu.memory_space<vmem>> -> memref<1x128xi32, #tpu.memory_space<vmem>>
        %dma_start3A_24 = tpu.memref_squeeze %dma_start3A_23 : memref<1x128xi32, #tpu.memory_space<vmem>> -> memref<128xi32, #tpu.memory_space<vmem>>
        %dma_start3A_25 = arith.constant 0 : i32
        %dma_start3A_26 = arith.constant 0 : i32
        %dma_start3A_27 = tpu.memref_slice %arg2[%dma_start3A_25, %dma_start3A_26] : memref<10000x128xf32, #tpu.memory_space<hbm>> -> memref<10000x128xf32, #tpu.memory_space<hbm>>
        tpu.enqueue_indirect_dma source(%dma_start3A_27 : memref<10000x128xf32, #tpu.memory_space<hbm>>) target(%arg7 : memref<128x128xf32, #tpu.memory_space<vmem>>) offsets(%dma_start3A_24 : memref<128xi32, #tpu.memory_space<vmem>>) semaphore(%arg10 : memref<!tpu.dma_semaphore, #tpu.memory_space<semaphore_mem>>)
        %dma_start3A_28 = arith.constant 2 : i32
        %dma_start3A_29 = arith.constant 0 : i32
        %dma_start3A_30 = tpu.memref_slice %arg6[%dma_start3A_28, %dma_start3A_29] : memref<8x128xi32, #tpu.memory_space<vmem>> -> memref<1x128xi32, #tpu.memory_space<vmem>>
        %dma_start3A_31 = tpu.memref_squeeze %dma_start3A_30 : memref<1x128xi32, #tpu.memory_space<vmem>> -> memref<128xi32, #tpu.memory_space<vmem>>
        %dma_start3A_32 = arith.constant 0 : i32
        %dma_start3A_33 = arith.constant 0 : i32
        %dma_start3A_34 = tpu.memref_slice %arg2[%dma_start3A_32, %dma_start3A_33] : memref<10000x128xf32, #tpu.memory_space<hbm>> -> memref<10000x128xf32, #tpu.memory_space<hbm>>
        tpu.enqueue_indirect_dma source(%dma_start3A_34 : memref<10000x128xf32, #tpu.memory_space<hbm>>) target(%arg8 : memref<128x128xf32, #tpu.memory_space<vmem>>) offsets(%dma_start3A_31 : memref<128xi32, #tpu.memory_space<vmem>>) semaphore(%arg10 : memref<!tpu.dma_semaphore, #tpu.memory_space<semaphore_mem>>)
        %dma_wait3A = arith.constant 0 : i32
        %dma_wait3A_35 = arith.constant 0 : i32
        %dma_wait3A_36 = tpu.memref_slice %arg6[%dma_wait3A, %dma_wait3A_35] : memref<8x128xi32, #tpu.memory_space<vmem>> -> memref<1x128xi32, #tpu.memory_space<vmem>>
        %dma_wait3A_37 = tpu.memref_squeeze %dma_wait3A_36 : memref<1x128xi32, #tpu.memory_space<vmem>> -> memref<128xi32, #tpu.memory_space<vmem>>
        %dma_wait3A_38 = arith.constant 0 : i32
        %dma_wait3A_39 = arith.constant 0 : i32
        %dma_wait3A_40 = tpu.memref_slice %arg2[%dma_wait3A_38, %dma_wait3A_39] : memref<10000x128xf32, #tpu.memory_space<hbm>> -> memref<10000x128xf32, #tpu.memory_space<hbm>>
        tpu.wait_indirect_dma semaphore(%arg10 : memref<!tpu.dma_semaphore, #tpu.memory_space<semaphore_mem>>) src(%dma_wait3A_40 : memref<10000x128xf32, #tpu.memory_space<hbm>>) dst(%arg7 : memref<128x128xf32, #tpu.memory_space<vmem>>)
        %run_scoped3A = arith.constant 1 : i32
        "tpu.region"() ({
          %run_scoped3A_79 = tpu.sem_alloc : memref<!tpu.dma_semaphore, #tpu.memory_space<semaphore_mem>>
          %dma_start3A_80 = arith.constant 0 : i32
          %dma_start3A_81 = tpu.memref_slice %arg6[%run_scoped3A, %dma_start3A_80] : memref<8x128xi32, #tpu.memory_space<vmem>> -> memref<1x128xi32, #tpu.memory_space<vmem>>
          %dma_start3A_82 = tpu.memref_squeeze %dma_start3A_81 : memref<1x128xi32, #tpu.memory_space<vmem>> -> memref<128xi32, #tpu.memory_space<vmem>>
          %dma_start3A_83 = arith.constant 0 : i32
          %dma_start3A_84 = arith.constant 0 : i32
          %dma_start3A_85 = tpu.memref_slice %arg9[%dma_start3A_83, %dma_start3A_84] : memref<10240x128xf32, #tpu.memory_space<vmem_shared>> -> memref<10240x128xf32, #tpu.memory_space<vmem_shared>>
          tpu.enqueue_indirect_dma source(%arg7 : memref<128x128xf32, #tpu.memory_space<vmem>>) target(%dma_start3A_85 : memref<10240x128xf32, #tpu.memory_space<vmem_shared>>) offsets(%dma_start3A_82 : memref<128xi32, #tpu.memory_space<vmem>>) semaphore(%run_scoped3A_79 : memref<!tpu.dma_semaphore, #tpu.memory_space<semaphore_mem>>) {add = true}
          %dma_wait3A_86 = arith.constant 0 : i32
          %dma_wait3A_87 = tpu.memref_slice %arg6[%run_scoped3A, %dma_wait3A_86] : memref<8x128xi32, #tpu.memory_space<vmem>> -> memref<1x128xi32, #tpu.memory_space<vmem>>
          %dma_wait3A_88 = tpu.memref_squeeze %dma_wait3A_87 : memref<1x128xi32, #tpu.memory_space<vmem>> -> memref<128xi32, #tpu.memory_space<vmem>>
          %dma_wait3A_89 = arith.constant 0 : i32
          %dma_wait3A_90 = arith.constant 0 : i32
          %dma_wait3A_91 = tpu.memref_slice %arg9[%dma_wait3A_89, %dma_wait3A_90] : memref<10240x128xf32, #tpu.memory_space<vmem_shared>> -> memref<10240x128xf32, #tpu.memory_space<vmem_shared>>
          tpu.wait_indirect_dma semaphore(%run_scoped3A_79 : memref<!tpu.dma_semaphore, #tpu.memory_space<semaphore_mem>>) src(%arg7 : memref<128x128xf32, #tpu.memory_space<vmem>>) dst(%dma_wait3A_91 : memref<10240x128xf32, #tpu.memory_space<vmem_shared>>)
          tpu.yield
        }) : () -> ()
        %dma_start3A_41 = arith.constant 4 : i32
        %dma_start3A_42 = arith.constant 0 : i32
        %dma_start3A_43 = tpu.memref_slice %arg6[%dma_start3A_41, %dma_start3A_42] : memref<8x128xi32, #tpu.memory_space<vmem>> -> memref<1x128xi32, #tpu.memory_space<vmem>>
        %dma_start3A_44 = tpu.memref_squeeze %dma_start3A_43 : memref<1x128xi32, #tpu.memory_space<vmem>> -> memref<128xi32, #tpu.memory_space<vmem>>
        %dma_start3A_45 = arith.constant 0 : i32
        %dma_start3A_46 = arith.constant 0 : i32
        %dma_start3A_47 = tpu.memref_slice %arg2[%dma_start3A_45, %dma_start3A_46] : memref<10000x128xf32, #tpu.memory_space<hbm>> -> memref<10000x128xf32, #tpu.memory_space<hbm>>
        tpu.enqueue_indirect_dma source(%dma_start3A_47 : memref<10000x128xf32, #tpu.memory_space<hbm>>) target(%arg7 : memref<128x128xf32, #tpu.memory_space<vmem>>) offsets(%dma_start3A_44 : memref<128xi32, #tpu.memory_space<vmem>>) semaphore(%arg10 : memref<!tpu.dma_semaphore, #tpu.memory_space<semaphore_mem>>)
        %dma_wait3A_48 = arith.constant 2 : i32
        %dma_wait3A_49 = arith.constant 0 : i32
        %dma_wait3A_50 = tpu.memref_slice %arg6[%dma_wait3A_48, %dma_wait3A_49] : memref<8x128xi32, #tpu.memory_space<vmem>> -> memref<1x128xi32, #tpu.memory_space<vmem>>
        %dma_wait3A_51 = tpu.memref_squeeze %dma_wait3A_50 : memref<1x128xi32, #tpu.memory_space<vmem>> -> memref<128xi32, #tpu.memory_space<vmem>>
        %dma_wait3A_52 = arith.constant 0 : i32
        %dma_wait3A_53 = arith.constant 0 : i32
        %dma_wait3A_54 = tpu.memref_slice %arg2[%dma_wait3A_52, %dma_wait3A_53] : memref<10000x128xf32, #tpu.memory_space<hbm>> -> memref<10000x128xf32, #tpu.memory_space<hbm>>
        tpu.wait_indirect_dma semaphore(%arg10 : memref<!tpu.dma_semaphore, #tpu.memory_space<semaphore_mem>>) src(%dma_wait3A_54 : memref<10000x128xf32, #tpu.memory_space<hbm>>) dst(%arg8 : memref<128x128xf32, #tpu.memory_space<vmem>>)
        %run_scoped3A_55 = arith.constant 3 : i32
        "tpu.region"() ({
          %run_scoped3A_79 = tpu.sem_alloc : memref<!tpu.dma_semaphore, #tpu.memory_space<semaphore_mem>>
          %dma_start3A_80 = arith.constant 0 : i32
          %dma_start3A_81 = tpu.memref_slice %arg6[%run_scoped3A_55, %dma_start3A_80] : memref<8x128xi32, #tpu.memory_space<vmem>> -> memref<1x128xi32, #tpu.memory_space<vmem>>
          %dma_start3A_82 = tpu.memref_squeeze %dma_start3A_81 : memref<1x128xi32, #tpu.memory_space<vmem>> -> memref<128xi32, #tpu.memory_space<vmem>>
          %dma_start3A_83 = arith.constant 0 : i32
          %dma_start3A_84 = arith.constant 0 : i32
          %dma_start3A_85 = tpu.memref_slice %arg9[%dma_start3A_83, %dma_start3A_84] : memref<10240x128xf32, #tpu.memory_space<vmem_shared>> -> memref<10240x128xf32, #tpu.memory_space<vmem_shared>>
          tpu.enqueue_indirect_dma source(%arg8 : memref<128x128xf32, #tpu.memory_space<vmem>>) target(%dma_start3A_85 : memref<10240x128xf32, #tpu.memory_space<vmem_shared>>) offsets(%dma_start3A_82 : memref<128xi32, #tpu.memory_space<vmem>>) semaphore(%run_scoped3A_79 : memref<!tpu.dma_semaphore, #tpu.memory_space<semaphore_mem>>) {add = true}
          %dma_wait3A_86 = arith.constant 0 : i32
          %dma_wait3A_87 = tpu.memref_slice %arg6[%run_scoped3A_55, %dma_wait3A_86] : memref<8x128xi32, #tpu.memory_space<vmem>> -> memref<1x128xi32, #tpu.memory_space<vmem>>
          %dma_wait3A_88 = tpu.memref_squeeze %dma_wait3A_87 : memref<1x128xi32, #tpu.memory_space<vmem>> -> memref<128xi32, #tpu.memory_space<vmem>>
          %dma_wait3A_89 = arith.constant 0 : i32
          %dma_wait3A_90 = arith.constant 0 : i32
          %dma_wait3A_91 = tpu.memref_slice %arg9[%dma_wait3A_89, %dma_wait3A_90] : memref<10240x128xf32, #tpu.memory_space<vmem_shared>> -> memref<10240x128xf32, #tpu.memory_space<vmem_shared>>
          tpu.wait_indirect_dma semaphore(%run_scoped3A_79 : memref<!tpu.dma_semaphore, #tpu.memory_space<semaphore_mem>>) src(%arg8 : memref<128x128xf32, #tpu.memory_space<vmem>>) dst(%dma_wait3A_91 : memref<10240x128xf32, #tpu.memory_space<vmem_shared>>)
          tpu.yield
        }) : () -> ()
        %dma_start3A_56 = arith.constant 6 : i32
        %dma_start3A_57 = arith.constant 0 : i32
        %dma_start3A_58 = tpu.memref_slice %arg6[%dma_start3A_56, %dma_start3A_57] : memref<8x128xi32, #tpu.memory_space<vmem>> -> memref<1x128xi32, #tpu.memory_space<vmem>>
        %dma_start3A_59 = tpu.memref_squeeze %dma_start3A_58 : memref<1x128xi32, #tpu.memory_space<vmem>> -> memref<128xi32, #tpu.memory_space<vmem>>
        %dma_start3A_60 = arith.constant 0 : i32
        %dma_start3A_61 = arith.constant 0 : i32
        %dma_start3A_62 = tpu.memref_slice %arg2[%dma_start3A_60, %dma_start3A_61] : memref<10000x128xf32, #tpu.memory_space<hbm>> -> memref<10000x128xf32, #tpu.memory_space<hbm>>
        tpu.enqueue_indirect_dma source(%dma_start3A_62 : memref<10000x128xf32, #tpu.memory_space<hbm>>) target(%arg8 : memref<128x128xf32, #tpu.memory_space<vmem>>) offsets(%dma_start3A_59 : memref<128xi32, #tpu.memory_space<vmem>>) semaphore(%arg10 : memref<!tpu.dma_semaphore, #tpu.memory_space<semaphore_mem>>)
        %dma_wait3A_63 = arith.constant 4 : i32
        %dma_wait3A_64 = arith.constant 0 : i32
        %dma_wait3A_65 = tpu.memref_slice %arg6[%dma_wait3A_63, %dma_wait3A_64] : memref<8x128xi32, #tpu.memory_space<vmem>> -> memref<1x128xi32, #tpu.memory_space<vmem>>
        %dma_wait3A_66 = tpu.memref_squeeze %dma_wait3A_65 : memref<1x128xi32, #tpu.memory_space<vmem>> -> memref<128xi32, #tpu.memory_space<vmem>>
        %dma_wait3A_67 = arith.constant 0 : i32
        %dma_wait3A_68 = arith.constant 0 : i32
        %dma_wait3A_69 = tpu.memref_slice %arg2[%dma_wait3A_67, %dma_wait3A_68] : memref<10000x128xf32, #tpu.memory_space<hbm>> -> memref<10000x128xf32, #tpu.memory_space<hbm>>
        tpu.wait_indirect_dma semaphore(%arg10 : memref<!tpu.dma_semaphore, #tpu.memory_space<semaphore_mem>>) src(%dma_wait3A_69 : memref<10000x128xf32, #tpu.memory_space<hbm>>) dst(%arg7 : memref<128x128xf32, #tpu.memory_space<vmem>>)
        %run_scoped3A_70 = arith.constant 5 : i32
        "tpu.region"() ({
          %run_scoped3A_79 = tpu.sem_alloc : memref<!tpu.dma_semaphore, #tpu.memory_space<semaphore_mem>>
          %dma_start3A_80 = arith.constant 0 : i32
          %dma_start3A_81 = tpu.memref_slice %arg6[%run_scoped3A_70, %dma_start3A_80] : memref<8x128xi32, #tpu.memory_space<vmem>> -> memref<1x128xi32, #tpu.memory_space<vmem>>
          %dma_start3A_82 = tpu.memref_squeeze %dma_start3A_81 : memref<1x128xi32, #tpu.memory_space<vmem>> -> memref<128xi32, #tpu.memory_space<vmem>>
          %dma_start3A_83 = arith.constant 0 : i32
          %dma_start3A_84 = arith.constant 0 : i32
          %dma_start3A_85 = tpu.memref_slice %arg9[%dma_start3A_83, %dma_start3A_84] : memref<10240x128xf32, #tpu.memory_space<vmem_shared>> -> memref<10240x128xf32, #tpu.memory_space<vmem_shared>>
          tpu.enqueue_indirect_dma source(%arg7 : memref<128x128xf32, #tpu.memory_space<vmem>>) target(%dma_start3A_85 : memref<10240x128xf32, #tpu.memory_space<vmem_shared>>) offsets(%dma_start3A_82 : memref<128xi32, #tpu.memory_space<vmem>>) semaphore(%run_scoped3A_79 : memref<!tpu.dma_semaphore, #tpu.memory_space<semaphore_mem>>) {add = true}
          %dma_wait3A_86 = arith.constant 0 : i32
          %dma_wait3A_87 = tpu.memref_slice %arg6[%run_scoped3A_70, %dma_wait3A_86] : memref<8x128xi32, #tpu.memory_space<vmem>> -> memref<1x128xi32, #tpu.memory_space<vmem>>
          %dma_wait3A_88 = tpu.memref_squeeze %dma_wait3A_87 : memref<1x128xi32, #tpu.memory_space<vmem>> -> memref<128xi32, #tpu.memory_space<vmem>>
          %dma_wait3A_89 = arith.constant 0 : i32
          %dma_wait3A_90 = arith.constant 0 : i32
          %dma_wait3A_91 = tpu.memref_slice %arg9[%dma_wait3A_89, %dma_wait3A_90] : memref<10240x128xf32, #tpu.memory_space<vmem_shared>> -> memref<10240x128xf32, #tpu.memory_space<vmem_shared>>
          tpu.wait_indirect_dma semaphore(%run_scoped3A_79 : memref<!tpu.dma_semaphore, #tpu.memory_space<semaphore_mem>>) src(%arg7 : memref<128x128xf32, #tpu.memory_space<vmem>>) dst(%dma_wait3A_91 : memref<10240x128xf32, #tpu.memory_space<vmem_shared>>)
          tpu.yield
        }) : () -> ()
        %dma_wait3A_71 = arith.constant 6 : i32
        %dma_wait3A_72 = arith.constant 0 : i32
        %dma_wait3A_73 = tpu.memref_slice %arg6[%dma_wait3A_71, %dma_wait3A_72] : memref<8x128xi32, #tpu.memory_space<vmem>> -> memref<1x128xi32, #tpu.memory_space<vmem>>
        %dma_wait3A_74 = tpu.memref_squeeze %dma_wait3A_73 : memref<1x128xi32, #tpu.memory_space<vmem>> -> memref<128xi32, #tpu.memory_space<vmem>>
        %dma_wait3A_75 = arith.constant 0 : i32
        %dma_wait3A_76 = arith.constant 0 : i32
        %dma_wait3A_77 = tpu.memref_slice %arg2[%dma_wait3A_75, %dma_wait3A_76] : memref<10000x128xf32, #tpu.memory_space<hbm>> -> memref<10000x128xf32, #tpu.memory_space<hbm>>
        tpu.wait_indirect_dma semaphore(%arg10 : memref<!tpu.dma_semaphore, #tpu.memory_space<semaphore_mem>>) src(%dma_wait3A_77 : memref<10000x128xf32, #tpu.memory_space<hbm>>) dst(%arg8 : memref<128x128xf32, #tpu.memory_space<vmem>>)
        %run_scoped3A_78 = arith.constant 7 : i32
        "tpu.region"() ({
          %run_scoped3A_79 = tpu.sem_alloc : memref<!tpu.dma_semaphore, #tpu.memory_space<semaphore_mem>>
          %dma_start3A_80 = arith.constant 0 : i32
          %dma_start3A_81 = tpu.memref_slice %arg6[%run_scoped3A_78, %dma_start3A_80] : memref<8x128xi32, #tpu.memory_space<vmem>> -> memref<1x128xi32, #tpu.memory_space<vmem>>
          %dma_start3A_82 = tpu.memref_squeeze %dma_start3A_81 : memref<1x128xi32, #tpu.memory_space<vmem>> -> memref<128xi32, #tpu.memory_space<vmem>>
          %dma_start3A_83 = arith.constant 0 : i32
          %dma_start3A_84 = arith.constant 0 : i32
          %dma_start3A_85 = tpu.memref_slice %arg9[%dma_start3A_83, %dma_start3A_84] : memref<10240x128xf32, #tpu.memory_space<vmem_shared>> -> memref<10240x128xf32, #tpu.memory_space<vmem_shared>>
          tpu.enqueue_indirect_dma source(%arg8 : memref<128x128xf32, #tpu.memory_space<vmem>>) target(%dma_start3A_85 : memref<10240x128xf32, #tpu.memory_space<vmem_shared>>) offsets(%dma_start3A_82 : memref<128xi32, #tpu.memory_space<vmem>>) semaphore(%run_scoped3A_79 : memref<!tpu.dma_semaphore, #tpu.memory_space<semaphore_mem>>) {add = true}
          %dma_wait3A_86 = arith.constant 0 : i32
          %dma_wait3A_87 = tpu.memref_slice %arg6[%run_scoped3A_78, %dma_wait3A_86] : memref<8x128xi32, #tpu.memory_space<vmem>> -> memref<1x128xi32, #tpu.memory_space<vmem>>
          %dma_wait3A_88 = tpu.memref_squeeze %dma_wait3A_87 : memref<1x128xi32, #tpu.memory_space<vmem>> -> memref<128xi32, #tpu.memory_space<vmem>>
          %dma_wait3A_89 = arith.constant 0 : i32
          %dma_wait3A_90 = arith.constant 0 : i32
          %dma_wait3A_91 = tpu.memref_slice %arg9[%dma_wait3A_89, %dma_wait3A_90] : memref<10240x128xf32, #tpu.memory_space<vmem_shared>> -> memref<10240x128xf32, #tpu.memory_space<vmem_shared>>
          tpu.wait_indirect_dma semaphore(%run_scoped3A_79 : memref<!tpu.dma_semaphore, #tpu.memory_space<semaphore_mem>>) src(%arg8 : memref<128x128xf32, #tpu.memory_space<vmem>>) dst(%dma_wait3A_91 : memref<10240x128xf32, #tpu.memory_space<vmem_shared>>)
          tpu.yield
        }) : () -> ()
      } else {
      }
    }
    %scan3A_7 = arith.constant 20 : i32
    %barrier3A_8 = arith.constant 0 : index
    tpu.barrier barrier_id(%barrier3A_8)
    %mul3A_9 = arith.constant 640 : i32
    %mul3A_10 = arith.muli %arg1, %mul3A_9 : i32
    %mul3A_11 = arith.constant 10240 : i32
    %mul3A_12 = arith.muli %arg0, %mul3A_11 : i32
    %mul3A_13 = arith.constant 640 : i32
    %mul3A_14 = arith.muli %arg1, %mul3A_13 : i32
    %add3A_15 = arith.addi %mul3A_12, %mul3A_14 : i32
    "tpu.region"() ({
      %run_scoped3A = tpu.sem_alloc : memref<!tpu.dma_semaphore, #tpu.memory_space<semaphore_mem>>
      %dma_start3A = arith.constant 0 : i32
      %dma_start3A_16 = tpu.memref_slice %arg5[%add3A_15, %dma_start3A] : memref<20480x128xf32, #tpu.memory_space<hbm>> -> memref<640x128xf32, #tpu.memory_space<hbm>>
      %dma_start3A_17 = arith.constant 0 : i32
      %dma_start3A_18 = tpu.memref_slice %arg9[%mul3A_10, %dma_start3A_17] : memref<10240x128xf32, #tpu.memory_space<vmem_shared>> -> memref<640x128xf32, #tpu.memory_space<vmem_shared>>
      tpu.enqueue_dma source(%dma_start3A_18 : memref<640x128xf32, #tpu.memory_space<vmem_shared>>) target(%dma_start3A_16 : memref<640x128xf32, #tpu.memory_space<hbm>>) target_semaphore(%run_scoped3A : memref<!tpu.dma_semaphore, #tpu.memory_space<semaphore_mem>>)
      %dma_wait3A = arith.constant 0 : i32
      %dma_wait3A_19 = tpu.memref_slice %arg5[%add3A_15, %dma_wait3A] : memref<20480x128xf32, #tpu.memory_space<hbm>> -> memref<640x128xf32, #tpu.memory_space<hbm>>
      %dma_wait3A_20 = arith.constant 0 : i32
      %dma_wait3A_21 = tpu.memref_slice %arg9[%mul3A_10, %dma_wait3A_20] : memref<10240x128xf32, #tpu.memory_space<vmem_shared>> -> memref<640x128xf32, #tpu.memory_space<vmem_shared>>
      tpu.wait_dma2 semaphore(%run_scoped3A : memref<!tpu.dma_semaphore, #tpu.memory_space<semaphore_mem>>) src(%dma_wait3A_21 : memref<640x128xf32, #tpu.memory_space<vmem_shared>>) dst(%dma_wait3A_19 : memref<640x128xf32, #tpu.memory_space<hbm>>)
      tpu.yield
    }) : () -> ()
    return
  }
}

module attributes {stable_mosaic.version = 14 : i64} {
  func.func @_mm_body(%arg0: i32, %arg1: memref<1000x128xf32, #tpu.memory_space<vmem>>, %arg2: memref<128x128xf32, #tpu.memory_space<vmem>>, %arg3: memref<1000x128xf32, #tpu.memory_space<vmem>>) attributes {dimension_semantics = [#tpu.dimension_semantics<arbitrary>], iteration_bounds = array<i64: 10>, scalar_prefetch = 0 : i64, scratch_operands = 0 : i64, tpu.core_type = #tpu.core_type<tc>, window_params = [{transform_indices = @transform_0, window_bounds = array<i64: 1000, 128>}, {pipeline_mode = #tpu.pipeline_mode<synchronous>, transform_indices = @transform_1, window_bounds = array<i64: 128, 128>}, {transform_indices = @transform_2, window_bounds = array<i64: 1000, 128>}]} {
    %get3A = arith.constant 0 : index
    %get3A_0 = arith.constant 0 : index
    %get3A_1 = vector.load %arg1[%get3A, %get3A_0] : memref<1000x128xf32, #tpu.memory_space<vmem>>, vector<1000x128xf32>
    %get3A_2 = arith.constant 0 : index
    %get3A_3 = arith.constant 0 : index
    %get3A_4 = vector.load %arg2[%get3A_2, %get3A_3] : memref<128x128xf32, #tpu.memory_space<vmem>>, vector<128x128xf32>
    %dot_general3A = arith.constant dense<0.000000e+00> : vector<1000x128xf32>
    %dot_general3A_5 = tpu.matmul %get3A_1, %get3A_4, %dot_general3A {dimension_numbers = #tpu.dot_dimension_numbers<[1], [0], [0], [1], [0, 0, 1, 1], [], []>, precision = #tpu.contract_precision<fp32>, transpose_lhs_hint = false} : vector<1000x128xf32>, vector<128x128xf32>, vector<1000x128xf32> -> vector<1000x128xf32>
    %swap3A = arith.constant 0 : index
    %swap3A_6 = arith.constant 0 : index
    %swap3A_7 = vector.load %arg3[%swap3A, %swap3A_6] : memref<1000x128xf32, #tpu.memory_space<vmem>>, vector<1000x128xf32>
    tpu.vector_store %arg3[%swap3A, %swap3A_6], %dot_general3A_5 {strides = array<i32>} : memref<1000x128xf32, #tpu.memory_space<vmem>>, vector<1000x128xf32>,
    return
  }
  func.func @transform_0(%arg0: i32) -> (i32, i32) {
    %c0_i32 = arith.constant 0 : i32
    %c0_i32_0 = arith.constant 0 : i32
    return %arg0, %c0_i32 : i32, i32
  }
  func.func @transform_1(%arg0: i32) -> (i32, i32) {
    %c0_i32 = arith.constant 0 : i32
    %c0_i32_0 = arith.constant 0 : i32
    %c0_i32_1 = arith.constant 0 : i32
    return %c0_i32, %c0_i32_0 : i32, i32
  }
  func.func @transform_2(%arg0: i32) -> (i32, i32) {
    %c0_i32 = arith.constant 0 : i32
    %c0_i32_0 = arith.constant 0 : i32
    return %arg0, %c0_i32 : i32, i32
  }
}

module attributes {stable_mosaic.version = 14 : i64} {
  func.func @_combine_mm_body(%arg0: i32, %arg1: memref<1000x128xf32, #tpu.memory_space<vmem>>, %arg2: memref<1000x128xf32, #tpu.memory_space<vmem>>, %arg3: memref<1x128xf32, #tpu.memory_space<vmem>>, %arg4: memref<128x128xf32, #tpu.memory_space<vmem>>, %arg5: memref<1000x128xf32, #tpu.memory_space<vmem>>) attributes {dimension_semantics = [#tpu.dimension_semantics<arbitrary>], iteration_bounds = array<i64: 10>, scalar_prefetch = 0 : i64, scratch_operands = 0 : i64, tpu.core_type = #tpu.core_type<tc>, window_params = [{transform_indices = @transform_0, window_bounds = array<i64: 1000, 128>}, {transform_indices = @transform_1, window_bounds = array<i64: 1000, 128>}, {pipeline_mode = #tpu.pipeline_mode<synchronous>, transform_indices = @transform_2, window_bounds = array<i64: 1, 128>}, {pipeline_mode = #tpu.pipeline_mode<synchronous>, transform_indices = @transform_3, window_bounds = array<i64: 128, 128>}, {transform_indices = @transform_4, window_bounds = array<i64: 1000, 128>}]} {
    %get3A = arith.constant 0 : index
    %get3A_0 = arith.constant 0 : index
    %get3A_1 = vector.load %arg1[%get3A, %get3A_0] : memref<1000x128xf32, #tpu.memory_space<vmem>>, vector<1000x128xf32>
    %get3A_2 = arith.constant 0 : index
    %get3A_3 = arith.constant 0 : index
    %get3A_4 = vector.load %arg2[%get3A_2, %get3A_3] : memref<1000x128xf32, #tpu.memory_space<vmem>>, vector<1000x128xf32>
    %add3A = arith.addf %get3A_1, %get3A_4 : vector<1000x128xf32>
    %get3A_5 = arith.constant 0 : index
    %get3A_6 = arith.constant 0 : index
    %get3A_7 = vector.load %arg3[%get3A_5, %get3A_6] : memref<1x128xf32, #tpu.memory_space<vmem>>, vector<1x128xf32>
    %add3A_8 = vector.broadcast %get3A_7 : vector<1x128xf32> to vector<1000x128xf32>
    %add3A_9 = arith.addf %add3A, %add3A_8 : vector<1000x128xf32>
    %max3A = arith.constant 0.000000e+00 : f32
    %max3A_10 = vector.broadcast %max3A : f32 to vector<1000x128xf32>
    %max3A_11 = arith.maximumf %add3A_9, %max3A_10 : vector<1000x128xf32>
    %get3A_12 = arith.constant 0 : index
    %get3A_13 = arith.constant 0 : index
    %get3A_14 = vector.load %arg4[%get3A_12, %get3A_13] : memref<128x128xf32, #tpu.memory_space<vmem>>, vector<128x128xf32>
    %dot_general3A = arith.constant dense<0.000000e+00> : vector<1000x128xf32>
    %dot_general3A_15 = tpu.matmul %max3A_11, %get3A_14, %dot_general3A {dimension_numbers = #tpu.dot_dimension_numbers<[1], [0], [0], [1], [0, 0, 1, 1], [], []>, precision = #tpu.contract_precision<fp32>, transpose_lhs_hint = false} : vector<1000x128xf32>, vector<128x128xf32>, vector<1000x128xf32> -> vector<1000x128xf32>
    %swap3A = arith.constant 0 : index
    %swap3A_16 = arith.constant 0 : index
    %swap3A_17 = vector.load %arg5[%swap3A, %swap3A_16] : memref<1000x128xf32, #tpu.memory_space<vmem>>, vector<1000x128xf32>
    tpu.vector_store %arg5[%swap3A, %swap3A_16], %dot_general3A_15 {strides = array<i32>} : memref<1000x128xf32, #tpu.memory_space<vmem>>, vector<1000x128xf32>,
    return
  }
  func.func @transform_0(%arg0: i32) -> (i32, i32) {
    %c0_i32 = arith.constant 0 : i32
    %c0_i32_0 = arith.constant 0 : i32
    return %arg0, %c0_i32 : i32, i32
  }
  func.func @transform_1(%arg0: i32) -> (i32, i32) {
    %c0_i32 = arith.constant 0 : i32
    %c0_i32_0 = arith.constant 0 : i32
    return %arg0, %c0_i32 : i32, i32
  }
  func.func @transform_2(%arg0: i32) -> (i32, i32) {
    %c0_i32 = arith.constant 0 : i32
    %c0_i32_0 = arith.constant 0 : i32
    %c0_i32_1 = arith.constant 0 : i32
    return %c0_i32, %c0_i32_0 : i32, i32
  }
  func.func @transform_3(%arg0: i32) -> (i32, i32) {
    %c0_i32 = arith.constant 0 : i32
    %c0_i32_0 = arith.constant 0 : i32
    %c0_i32_1 = arith.constant 0 : i32
    return %c0_i32, %c0_i32_0 : i32, i32
  }
  func.func @transform_4(%arg0: i32) -> (i32, i32) {
    %c0_i32 = arith.constant 0 : i32
    %c0_i32_0 = arith.constant 0 : i32
    return %arg0, %c0_i32 : i32, i32
  }
}

module attributes {stable_mosaic.version = 14 : i64} {
  func.func @_ff_body(%arg0: i32, %arg1: memref<1000x128xf32, #tpu.memory_space<vmem>>, %arg2: memref<1000x128xf32, #tpu.memory_space<vmem>>, %arg3: memref<1x128xf32, #tpu.memory_space<vmem>>, %arg4: memref<128x128xf32, #tpu.memory_space<vmem>>, %arg5: memref<1x128xf32, #tpu.memory_space<vmem>>, %arg6: memref<128x128xf32, #tpu.memory_space<vmem>>, %arg7: memref<1x128xf32, #tpu.memory_space<vmem>>, %arg8: memref<128x128xf32, #tpu.memory_space<vmem>>, %arg9: memref<1x128xf32, #tpu.memory_space<vmem>>, %arg10: memref<128x128xf32, #tpu.memory_space<vmem>>, %arg11: memref<1x128xf32, #tpu.memory_space<vmem>>, %arg12: memref<1000x128xf32, #tpu.memory_space<vmem>>) attributes {dimension_semantics = [#tpu.dimension_semantics<arbitrary>], iteration_bounds = array<i64: 10>, scalar_prefetch = 0 : i64, scratch_operands = 0 : i64, tpu.core_type = #tpu.core_type<tc>, window_params = [{transform_indices = @transform_0, window_bounds = array<i64: 1000, 128>}, {transform_indices = @transform_1, window_bounds = array<i64: 1000, 128>}, {pipeline_mode = #tpu.pipeline_mode<synchronous>, transform_indices = @transform_2, window_bounds = array<i64: 1, 128>}, {pipeline_mode = #tpu.pipeline_mode<synchronous>, transform_indices = @transform_3, window_bounds = array<i64: 128, 128>}, {pipeline_mode = #tpu.pipeline_mode<synchronous>, transform_indices = @transform_4, window_bounds = array<i64: 1, 128>}, {pipeline_mode = #tpu.pipeline_mode<synchronous>, transform_indices = @transform_5, window_bounds = array<i64: 128, 128>}, {pipeline_mode = #tpu.pipeline_mode<synchronous>, transform_indices = @transform_6, window_bounds = array<i64: 1, 128>}, {pipeline_mode = #tpu.pipeline_mode<synchronous>, transform_indices = @transform_7, window_bounds = array<i64: 128, 128>}, {pipeline_mode = #tpu.pipeline_mode<synchronous>, transform_indices = @transform_8, window_bounds = array<i64: 1, 128>}, {pipeline_mode = #tpu.pipeline_mode<synchronous>, transform_indices = @transform_9, window_bounds = array<i64: 128, 128>}, {pipeline_mode = #tpu.pipeline_mode<synchronous>, transform_indices = @transform_10, window_bounds = array<i64: 1, 128>}, {transform_indices = @transform_11, window_bounds = array<i64: 1000, 128>}]} {
    %get3A = arith.constant 0 : index
    %get3A_0 = arith.constant 0 : index
    %get3A_1 = vector.load %arg1[%get3A, %get3A_0] : memref<1000x128xf32, #tpu.memory_space<vmem>>, vector<1000x128xf32>
    %get3A_2 = arith.constant 0 : index
    %get3A_3 = arith.constant 0 : index
    %get3A_4 = vector.load %arg2[%get3A_2, %get3A_3] : memref<1000x128xf32, #tpu.memory_space<vmem>>, vector<1000x128xf32>
    %add3A = arith.addf %get3A_1, %get3A_4 : vector<1000x128xf32>
    %get3A_5 = arith.constant 0 : index
    %get3A_6 = arith.constant 0 : index
    %get3A_7 = vector.load %arg3[%get3A_5, %get3A_6] : memref<1x128xf32, #tpu.memory_space<vmem>>, vector<1x128xf32>
    %add3A_8 = vector.broadcast %get3A_7 : vector<1x128xf32> to vector<1000x128xf32>
    %add3A_9 = arith.addf %add3A, %add3A_8 : vector<1000x128xf32>
    %get3A_10 = arith.constant 0 : index
    %get3A_11 = arith.constant 0 : index
    %get3A_12 = vector.load %arg4[%get3A_10, %get3A_11] : memref<128x128xf32, #tpu.memory_space<vmem>>, vector<128x128xf32>
    %dot_general3A = arith.constant dense<0.000000e+00> : vector<1000x128xf32>
    %dot_general3A_13 = tpu.matmul %add3A_9, %get3A_12, %dot_general3A {dimension_numbers = #tpu.dot_dimension_numbers<[1], [0], [0], [1], [0, 0, 1, 1], [], []>, precision = #tpu.contract_precision<fp32>, transpose_lhs_hint = false} : vector<1000x128xf32>, vector<128x128xf32>, vector<1000x128xf32> -> vector<1000x128xf32>
    %get3A_14 = arith.constant 0 : index
    %get3A_15 = arith.constant 0 : index
    %get3A_16 = vector.load %arg5[%get3A_14, %get3A_15] : memref<1x128xf32, #tpu.memory_space<vmem>>, vector<1x128xf32>
    %add3A_17 = vector.broadcast %get3A_16 : vector<1x128xf32> to vector<1000x128xf32>
    %add3A_18 = arith.addf %dot_general3A_13, %add3A_17 : vector<1000x128xf32>
    %max3A = arith.constant 0.000000e+00 : f32
    %max3A_19 = vector.broadcast %max3A : f32 to vector<1000x128xf32>
    %max3A_20 = arith.maximumf %add3A_18, %max3A_19 : vector<1000x128xf32>
    %get3A_21 = arith.constant 0 : index
    %get3A_22 = arith.constant 0 : index
    %get3A_23 = vector.load %arg6[%get3A_21, %get3A_22] : memref<128x128xf32, #tpu.memory_space<vmem>>, vector<128x128xf32>
    %dot_general3A_24 = arith.constant dense<0.000000e+00> : vector<1000x128xf32>
    %dot_general3A_25 = tpu.matmul %max3A_20, %get3A_23, %dot_general3A_24 {dimension_numbers = #tpu.dot_dimension_numbers<[1], [0], [0], [1], [0, 0, 1, 1], [], []>, precision = #tpu.contract_precision<fp32>, transpose_lhs_hint = false} : vector<1000x128xf32>, vector<128x128xf32>, vector<1000x128xf32> -> vector<1000x128xf32>
    %get3A_26 = arith.constant 0 : index
    %get3A_27 = arith.constant 0 : index
    %get3A_28 = vector.load %arg7[%get3A_26, %get3A_27] : memref<1x128xf32, #tpu.memory_space<vmem>>, vector<1x128xf32>
    %add3A_29 = vector.broadcast %get3A_28 : vector<1x128xf32> to vector<1000x128xf32>
    %add3A_30 = arith.addf %dot_general3A_25, %add3A_29 : vector<1000x128xf32>
    %max3A_31 = arith.constant 0.000000e+00 : f32
    %max3A_32 = vector.broadcast %max3A_31 : f32 to vector<1000x128xf32>
    %max3A_33 = arith.maximumf %add3A_30, %max3A_32 : vector<1000x128xf32>
    %get3A_34 = arith.constant 0 : index
    %get3A_35 = arith.constant 0 : index
    %get3A_36 = vector.load %arg8[%get3A_34, %get3A_35] : memref<128x128xf32, #tpu.memory_space<vmem>>, vector<128x128xf32>
    %dot_general3A_37 = arith.constant dense<0.000000e+00> : vector<1000x128xf32>
    %dot_general3A_38 = tpu.matmul %max3A_33, %get3A_36, %dot_general3A_37 {dimension_numbers = #tpu.dot_dimension_numbers<[1], [0], [0], [1], [0, 0, 1, 1], [], []>, precision = #tpu.contract_precision<fp32>, transpose_lhs_hint = false} : vector<1000x128xf32>, vector<128x128xf32>, vector<1000x128xf32> -> vector<1000x128xf32>
    %get3A_39 = arith.constant 0 : index
    %get3A_40 = arith.constant 0 : index
    %get3A_41 = vector.load %arg9[%get3A_39, %get3A_40] : memref<1x128xf32, #tpu.memory_space<vmem>>, vector<1x128xf32>
    %add3A_42 = vector.broadcast %get3A_41 : vector<1x128xf32> to vector<1000x128xf32>
    %add3A_43 = arith.addf %dot_general3A_38, %add3A_42 : vector<1000x128xf32>
    %get3A_44 = arith.constant 0 : index
    %get3A_45 = arith.constant 0 : index
    %get3A_46 = vector.load %arg10[%get3A_44, %get3A_45] : memref<128x128xf32, #tpu.memory_space<vmem>>, vector<128x128xf32>
    %dot_general3A_47 = arith.constant dense<0.000000e+00> : vector<1000x128xf32>
    %dot_general3A_48 = tpu.matmul %add3A_9, %get3A_46, %dot_general3A_47 {dimension_numbers = #tpu.dot_dimension_numbers<[1], [0], [0], [1], [0, 0, 1, 1], [], []>, precision = #tpu.contract_precision<fp32>, transpose_lhs_hint = false} : vector<1000x128xf32>, vector<128x128xf32>, vector<1000x128xf32> -> vector<1000x128xf32>
    %get3A_49 = arith.constant 0 : index
    %get3A_50 = arith.constant 0 : index
    %get3A_51 = vector.load %arg11[%get3A_49, %get3A_50] : memref<1x128xf32, #tpu.memory_space<vmem>>, vector<1x128xf32>
    %add3A_52 = vector.broadcast %get3A_51 : vector<1x128xf32> to vector<1000x128xf32>
    %add3A_53 = arith.addf %dot_general3A_48, %add3A_52 : vector<1000x128xf32>
    %add3A_54 = arith.addf %add3A_43, %add3A_53 : vector<1000x128xf32>
    %swap3A = arith.constant 0 : index
    %swap3A_55 = arith.constant 0 : index
    %swap3A_56 = vector.load %arg12[%swap3A, %swap3A_55] : memref<1000x128xf32, #tpu.memory_space<vmem>>, vector<1000x128xf32>
    tpu.vector_store %arg12[%swap3A, %swap3A_55], %add3A_54 {strides = array<i32>} : memref<1000x128xf32, #tpu.memory_space<vmem>>, vector<1000x128xf32>,
    return
  }
  func.func @transform_0(%arg0: i32) -> (i32, i32) {
    %c0_i32 = arith.constant 0 : i32
    %c0_i32_0 = arith.constant 0 : i32
    return %arg0, %c0_i32 : i32, i32
  }
  func.func @transform_1(%arg0: i32) -> (i32, i32) {
    %c0_i32 = arith.constant 0 : i32
    %c0_i32_0 = arith.constant 0 : i32
    return %arg0, %c0_i32 : i32, i32
  }
  func.func @transform_2(%arg0: i32) -> (i32, i32) {
    %c0_i32 = arith.constant 0 : i32
    %c0_i32_0 = arith.constant 0 : i32
    %c0_i32_1 = arith.constant 0 : i32
    return %c0_i32, %c0_i32_0 : i32, i32
  }
  func.func @transform_3(%arg0: i32) -> (i32, i32) {
    %c0_i32 = arith.constant 0 : i32
    %c0_i32_0 = arith.constant 0 : i32
    %c0_i32_1 = arith.constant 0 : i32
    return %c0_i32, %c0_i32_0 : i32, i32
  }
  func.func @transform_4(%arg0: i32) -> (i32, i32) {
    %c0_i32 = arith.constant 0 : i32
    %c0_i32_0 = arith.constant 0 : i32
    %c0_i32_1 = arith.constant 0 : i32
    return %c0_i32, %c0_i32_0 : i32, i32
  }
  func.func @transform_5(%arg0: i32) -> (i32, i32) {
    %c0_i32 = arith.constant 0 : i32
    %c0_i32_0 = arith.constant 0 : i32
    %c0_i32_1 = arith.constant 0 : i32
    return %c0_i32, %c0_i32_0 : i32, i32
  }
  func.func @transform_6(%arg0: i32) -> (i32, i32) {
    %c0_i32 = arith.constant 0 : i32
    %c0_i32_0 = arith.constant 0 : i32
    %c0_i32_1 = arith.constant 0 : i32
    return %c0_i32, %c0_i32_0 : i32, i32
  }
  func.func @transform_7(%arg0: i32) -> (i32, i32) {
    %c0_i32 = arith.constant 0 : i32
    %c0_i32_0 = arith.constant 0 : i32
    %c0_i32_1 = arith.constant 0 : i32
    return %c0_i32, %c0_i32_0 : i32, i32
  }
  func.func @transform_8(%arg0: i32) -> (i32, i32) {
    %c0_i32 = arith.constant 0 : i32
    %c0_i32_0 = arith.constant 0 : i32
    %c0_i32_1 = arith.constant 0 : i32
    return %c0_i32, %c0_i32_0 : i32, i32
  }
  func.func @transform_9(%arg0: i32) -> (i32, i32) {
    %c0_i32 = arith.constant 0 : i32
    %c0_i32_0 = arith.constant 0 : i32
    %c0_i32_1 = arith.constant 0 : i32
    return %c0_i32, %c0_i32_0 : i32, i32
  }
  func.func @transform_10(%arg0: i32) -> (i32, i32) {
    %c0_i32 = arith.constant 0 : i32
    %c0_i32_0 = arith.constant 0 : i32
    %c0_i32_1 = arith.constant 0 : i32
    return %c0_i32, %c0_i32_0 : i32, i32
  }
  func.func @transform_11(%arg0: i32) -> (i32, i32) {
    %c0_i32 = arith.constant 0 : i32
    %c0_i32_0 = arith.constant 0 : i32
    return %arg0, %c0_i32 : i32, i32
  }
}

</mosaic_0001>

<sc_bundles>
// kernel: kernel.10.cloned.1.call-start
scs
__scs_entry_jumppad:
0x0: {  	(pc) =	sbr.rel $0x88, $3  }
0x1: {  	(tag) =	ssettag $0x0;
	lr =	simm.s32 $0x1  }
0x2: {  	[smem:$0x3F93] =	sst lr;
	_ =	strace $0xD0000000  }
0x3: {  	_ = 	snop  }
0x4: {  	_ = 	snop  }
0x5: {  	_ = 	snop  }
0x6: {  	_ = 	snop  }
0x7: {  	_ = 	snop  }
__scs_overlays_trampoline_lowered:
0x8: {  	[smem:$0x3FA2] =	sst s0  }
0x9: {  	[smem:$0x3FA3] =	sst s1  }
0xa: {  	[smem:$0x3FA4] =	sst s2  }
0xb: {  	[smem:$0x3FA5] =	sst s3  }
0xc: {  	[smem:$0x3FA6] =	sst s4  }
0xd: {  	[smem:$0x3FA7] =	sst s5  }
0xe: {  	[smem:$0x3FA8] =	sst s6  }
0xf: {  	[smem:$0x3FA9] =	sst s7  }
0x10: {  	[smem:$0x3FAA] =	sst s8  }
0x11: {  	[smem:$0x3FAB] =	sst s9;
	s0 =	simm.s32 @!p0 $0x0  }
0x12: {  	s1 =	sld [smem:$0x3F91];
	s0 =	simm.s32 @p0 $0x1  }
0x13: {  	[smem:$0x3FAC] =	sst s0;
	s0 =	simm.s32 @!p1 $0x0  }
0x14: {  	s2 =	sld [smem:$0x3F90];
	s0 =	simm.s32 @p1 $0x1  }
0x15: {  	[smem:$0x3FAD] =	sst s0;
	s0 =	simm.s32 @!p2 $0x0  }
0x16: {  	s3 =	sld [smem:$0x3FDB];
	s0 =	simm.s32 @p2 $0x1  }
0x17: {  	s4 =	simm.s32 $0x1BF5;
	[smem:$0x3FAF] =	sst s0  }
0x18: {  	s0 =	sld [smem:$0x3F92];
	_ =	swait.ge [sflag:s4], $0x0  }
0x19: {  	s7 =	sld [smem:$0x3F93]  }
0x1a: {  	s8 =	sadd.s32 $0xFFFFE003, lr  }
0x1b: {  	s9 =	sadd.s32 $0xFFFFFEF7, lr;
	s5 =	simm.s32 $0xFFFFFFFF;
	p2 =	slt.u32 s8, $0xFFFFF086  }
0x1c: {  	p1 =	slt.u32 s9, $0xF7A;
	s5 =	simm.s32 @!p2 $0x0  }
0x1d: {  	s5 =	simm.s32 @p1 $0x1;
	p0 =	seq.s32 s7, s2  }
0x1e: {  	s7 =	smul.u32 @!p0 $0xF7A, s2;
	p2 =	seq.s32 @!p0 s5, $0x0  }
0x1f: {  	s9 =	smul.u32 $0xF7A, s1;
	s8 =	simm.s32 @!p0 $0x1BF5;
	p2 =	por !p2, p0  }
0x20: {  	[sflag:s8] =	ssyncset.s32 @!p0 $0xFFFFF086;
	s6 =	sadd.s32 @!p0 s3, s7;
	s7 =	simm.s32 @!p0 $0x108  }
0x21: {  	s3 =	sadd.s32 s3, s9;
	s6 =	sadd.s32 @!p0 $0x88, s6;
	s7 =	simm.s32 @p2 $0x1082  }
0x22: {  	[simem:s7], [sflag:s8] =	dma.local @!p0 [hbm:s6], $0xF7A  }
0x23: {  	s9 =	sor.u32 $0xD0000000, s2;
	s6 =	simm.s32 $0x108;
	_ =	swait.ge @!p0 [sflag:s8], $0x0  }
0x24: {  	s3 =	sadd.s32 $0x88, s3;
	s6 =	simm.s32 @!p1 $0x1082;
	[sflag:s4] =	ssyncset.s32 $0xFFFFF086  }
0x25: {  	[simem:s6], [sflag:s4] =	dma.local [hbm:s3], $0xF7A  }
0x26: {  	[smem:$0x3F93] =	sst s1;
	(tag) =	ssettag s2;
	_ =	strace s9  }
0x27: {  	s1 =	sld [smem:$0x3FA3]  }
0x28: {  	s2 =	sld [smem:$0x3FA4]  }
0x29: {  	s4 =	sld [smem:$0x3FA6]  }
0x2a: {  	p0 =	seq.s32 s5, $0x0;
	s5 =	sld [smem:$0x3FA7]  }
0x2b: {  	s6 =	sld [smem:$0x3FA8]  }
0x2c: {  	s7 =	sld [smem:$0x3FA9]  }
0x2d: {  	s3 =	simm.s32 $0x108;
	s8 =	sld [smem:$0x3FAA]  }
0x2e: {  	s3 =	simm.s32 @!p0 $0x1082;
	s9 =	sld [smem:$0x3FAB]  }
0x2f: {  	lr =	sadd.s32 s0, s3;
	s0 =	sld [smem:$0x3FA2]  }
0x30: {  	s3 =	sld [smem:$0x3FA5]  }
0x31: {  	[smem:$0x3FAE] =	sst s10  }
0x32: {  	s10 =	sld [smem:$0x3FAC];
	_ =	sdelay $0x3  }
0x33: {  	p0 =	seq.s32 s10, $0x1;
	s10 =	sld [smem:$0x3FAE];
	_ =	sdelay $0x3  }
0x34: {  	[smem:$0x3FAE] =	sst s10  }
0x35: {  	s10 =	sld [smem:$0x3FAD];
	_ =	sdelay $0x3  }
0x36: {  	p1 =	seq.s32 s10, $0x1;
	s10 =	sld [smem:$0x3FAE];
	_ =	sdelay $0x3  }
0x37: {  	[smem:$0x3FAE] =	sst s10  }
0x38: {  	s10 =	sld [smem:$0x3FAF]  }
0x39: {  	_ = 	snop;
	(pc) =	sbr.ind lr, $3  }
0x3a: {  	_ = 	snop  }
0x3b: {  	_ = 	snop  }
0x3c: {  	p2 =	seq.s32 s10, $0x1;
	s10 =	sld [smem:$0x3FAE]  }
0x3d: {  	_ =	shalt  }
0x3e: {  	_ =	shalt  }
0x3f: {  	_ =	shalt  }
0x40: {  	_ =	shalt  }
0x41: {  	_ =	shalt  }
0x42: {  	_ =	shalt  }
0x43: {  	_ =	shalt  }
0x44: {  	_ =	shalt  }
0x45: {  	_ =	shalt  }
0x46: {  	_ =	shalt  }
0x47: {  	_ =	shalt  }
0x48: {  	_ =	shalt  }
0x49: {  	_ =	shalt  }
0x4a: {  	_ =	shalt  }
0x4b: {  	_ =	shalt  }
0x4c: {  	_ =	shalt  }
0x4d: {  	_ =	shalt  }
0x4e: {  	_ =	shalt  }
0x4f: {  	_ =	shalt  }
0x50: {  	_ =	shalt  }
0x51: {  	_ =	shalt  }
0x52: {  	_ =	shalt  }
0x53: {  	_ =	shalt  }
0x54: {  	_ =	shalt  }
0x55: {  	_ =	shalt  }
0x56: {  	_ =	shalt  }
0x57: {  	_ =	shalt  }
0x58: {  	_ =	shalt  }
0x59: {  	_ =	shalt  }
0x5a: {  	_ =	shalt  }
0x5b: {  	_ =	shalt  }
0x5c: {  	_ =	shalt  }
0x5d: {  	_ =	shalt  }
0x5e: {  	_ =	shalt  }
0x5f: {  	_ =	shalt  }
0x60: {  	_ =	shalt  }
0x61: {  	_ =	shalt  }
0x62: {  	_ =	shalt  }
0x63: {  	_ =	shalt  }
0x64: {  	_ =	shalt  }
0x65: {  	_ =	shalt  }
0x66: {  	_ =	shalt  }
0x67: {  	_ =	shalt  }
0x68: {  	_ =	shalt  }
0x69: {  	_ =	shalt  }
0x6a: {  	_ =	shalt  }
0x6b: {  	_ =	shalt  }
0x6c: {  	_ =	shalt  }
0x6d: {  	_ =	shalt  }
0x6e: {  	_ =	shalt  }
0x6f: {  	_ =	shalt  }
0x70: {  	_ =	shalt  }
0x71: {  	_ =	shalt  }
0x72: {  	_ =	shalt  }
0x73: {  	_ =	shalt  }
0x74: {  	_ =	shalt  }
0x75: {  	_ =	shalt  }
0x76: {  	_ =	shalt  }
0x77: {  	_ =	shalt  }
0x78: {  	_ =	shalt  }
0x79: {  	_ =	shalt  }
0x7a: {  	_ =	shalt  }
0x7b: {  	_ =	shalt  }
0x7c: {  	_ =	shalt  }
0x7d: {  	_ =	shalt  }
0x7e: {  	_ =	shalt  }
0x7f: {  	_ =	shalt  }
0x80: {  	_ =	shalt  }
0x81: {  	_ =	shalt  }
0x82: {  	_ =	shalt  }
0x83: {  	_ =	shalt  }
0x84: {  	_ =	shalt  }
0x85: {  	_ =	shalt  }
0x86: {  	_ =	shalt  }
0x87: {  	_ =	shalt  }
.Lfunc_end0:
.L_simem_size_0:
called_computation.1_lowered:
.L_overlay_start_0:
0x88: {  	s2 =	sld [smem:$0x3FD9]  }
0x89: {  	s3 =	sld [smem:$0x3FFE];
	_ =	sdelay $0x1  }
0x8a: {  	s1 =	srdreg.scid  }
0x8b: {  	s0 =	sand.u32 $0x1, s1  }
0x8c: {  	s17 =	sshll.u32 s0, $0xA;
	s2 =	sadd.s32 s3, s2  }
0x8d: {  	s2 =	sadd.s32 s2, s17  }
0x8e: {  	[smem:$0x3FBA] =	sst s2  }
0x8f: {  	_ = 	snop  }
0x90: {  	s2 =	sld [smem:$0x3FD0];
	(tm) =	ssettm $0x1  }
0x91: {  	s18 =	sld [smem:$0x3FFB];
	_ =	sdelay $0x3  }
0x92: {  	_ =	strace s18  }
0x93: {  	s3 =	sld [smem:$0x3FFC];
	_ =	sdelay $0x3  }
0x94: {  	_ =	strace s3  }
0x95: {  	s3 =	sld [smem:$0x3FFD];
	_ =	sdelay $0x3  }
0x96: {  	_ =	strace s3  }
0x97: {  	_ =	strace $0x8FFFFFFF  }
0x98: {  	s19 =	sld [smem:$0x3FDB];
	_ =	sdelay $0x1  }
0x99: {  	s4 =	simm.s32 $_scs_section_size  }
0x9a: {  	s5 =	simm.s32 $_size__tile_overlayer_lowered;
	s6 =	simm.s32 $_tile_overlayer_lowered  }
0x9b: {  	s22 =	simm.s32 $0x1BFF;
	s21 =	sshll.u32 s6, $0x1;
	s3 =	sadd.s32 s4, s19  }
0x9c: {  	s7 =	simm.s32 $0x0;
	s20 =	sshll.u32 s5, $0x1;
	s5 =	sadd.s32 s21, s3  }
0x9d: {  	[timem:s7], [sflag:s22] =	dma.local [hbm:s5], s20  }
0x9e: {  	_ =	swait.ge [sflag:s22], s20  }
0x9f: {  	s4 =	ssub.s32 $0x0, s20;
	[sflag:s22] =	ssyncset.done $0x0  }
0xa0: {  	[sflag:s22] =	ssyncadd.s32 s4;
	_ =	sdelay $0x1  }
0xa1: {  	s23 =	simm.s32 $0x1B8B  }
0xa2: {  	_ =	swait.ge [sflag:s23], $0x1  }
0xa3: {  	[sflag:s23] =	ssyncset.done $0x0  }
0xa4: {  	s25 =	simm.s32 $0x1B8E;
	s24 =	sld [smem:$0x3FFE];
	[sflag:s23] =	ssyncadd.s32 $0xFFFFFFFF  }
0xa5: {  	s26 =	simm.s32 $execute0_lowered;
	[smem:$0x3FD2] =	sst s25  }
0xa6: {  	s5 =	sshll.u32 s26, $0x1;
	_ =	strace $0x80000049;
	[dreg:$0x1] =	wrdreg $0xFFFFFFFF  }
0xa7: {  	s28 =	simm.s32 $_size_execute0_lowered;
	s3 =	sadd.s32 s3, s5;
	[dreg:$0x0] =	wrdreg $0x0  }
0xa8: {  	s5 =	sshll.u32 s28, $0x1;
	[dreg:$0x2] =	wrdreg s3  }
0xa9: {  	[dreg:$0x3] =	wrdreg s5  }
0xaa: {  	[dreg:$0x4] =	wrdreg $0xC0  }
0xab: {  	_ =	task [dreg:s7], $0x5FFFF  }
0xac: {  	[dreg:$0x1] =	wrdreg $0xFFFFFFFF  }
0xad: {  	[dreg:$0x0] =	wrdreg $0x60  }
0xae: {  	[dreg:$0x2] =	wrdreg s2  }
0xaf: {  	[dreg:$0x3] =	wrdreg s24  }
0xb0: {  	[dreg:$0x4] =	wrdreg $0x84000  }
0xb1: {  	[dreg:$0x5] =	wrdreg $0x9  }
0xb2: {  	_ =	task.clear_ibuf [dreg:s7], $0x6FFFF;
	_ =	strace $0x90000049  }
0xb3: {  	s29 =	simm.s32 $0x9;
	_ =	strace $0x8000004B  }
0xb4: {  	_ =	swait.ge [sflag:s29], $0x1  }
0xb5: {  	[sflag:s29] =	ssyncadd.s32 $0xFFFFFFFF  }
0xb6: {  	_ =	strace $0x9000004B  }
0xb7: {  	_ =	sfence  }
0xb8: {  	s30 =	sld [smem:$0x0];
	_ =	sdelay $0x2  }
0xb9: {  	s31 =	sshll.u32 s1, $0xD;
	s1 =	sshrl.u32 s1, $0x2  }
0xba: {  	s3 =	sand.u32 $0x4000, s31;
	s1 =	sadd.s32 s1, s30  }
0xbb: {  	s0 =	sor.u32 s3, s0;
	s1 =	sshll.u32 s1, $0x11  }
0xbc: {  	s0 =	sor.u32 s1, s0  }
0xbd: {  	s0 =	sadd.s32 $0x8F2B, s0  }
0xbe: {  	[sflag:s0] =	ssyncadd.remote.s32 $0x1  }
0xbf: {  	_ =	sfence.sel $0xFFFF  }
0xc0: {  	[dreg:$0x0] =	wrdreg $0xFFFFFFFF;
	(pc) =	sbr.abs _section_cstart, $3  }
0xc1: {  	[dreg:$0x1] =	wrdreg $0xFFFFFFFF  }
0xc2: {  	_ =	task.clear_ibuf [dreg:s7], $0x2FFFF;
	_ =	strace $0x9FFFFFFF  }
0xc3: {  	(tm) =	ssettm $0x7FFFFFFF  }
tec
execute0_lowered:
.L_overlay_start_1:
0x0: {  	(tag) =	ssettag $0x1  }
0x1: {  	s1 =	rddreg [dreg:$0x0]  }
0x2: {  	s6 =	rddreg [dreg:$0x1]  }
0x3: {  	s3 =	rddreg [dreg:$0x2]  }
0x4: {  	s0 =	rddreg [dreg:$0x3]  }
0x5: {  	s4 =	simm.s32 $0x0;
	s2 =	stileid.u32;
	s5 =	srdreg.scid  }
0x6: {  	[smem:$0x7FF] =	sst s4;
	s10 =	sand.u32 $0x1, s5;
	s7 =	smul.u32 $0x2800, s2  }
0x7: {  	s26 =	sshll.u32 s2, $0x8;
	s5 =	sadd.s32 $0x16600, s6;
	s12 =	smul.u32 $0x50000, s2  }
0x8: {  	s29 =	sshll.u32 s2, $0x1;
	s31 =	sshll.u32 s2, $0x6;
	_ =	strace $0x8000004A  }
0x9: {  	s8 =	smul.u32 $0x28000, s10;
	s9 =	sadd.s32 s26, s6;
	s11 =	ssub.s32 $0x2, s10  }
0xa: {  	s13 =	sshll.u32 s10, $0x7;
	s10 =	sor.u32 s10, s29;
	s28 =	sshrl.u32 s11, $0x1  }
0xb: {  	s30 =	sshrl.u32 s12, $0x2;
	s9 =	sadd.s32 s13, s9;
	s12 =	simm.s32 $0x2  }
0xc: {  	s7 =	sadd.s32 s7, s8;
	s8 =	ssub.s32 s11, s28;
	s14 =	sadd.s32 s30, s3  }
0xd: {  	s9 =	sadd.s32 $0x2C00, s9;
	s7 =	sadd.s32 s7, s6;
	s6 =	sor.u32 $0x1C02, s31  }
0xe: {  	s8 =	smax.u32 s8, $0x1;
	s11 =	sshrl.u32 s14, $0x3;
	s7 =	sadd.s32 $0x18E00, s7  }
.LBB2_1:
0xf: {  	[spmem:s11], [sflag:s6] =	dma.local [hbm:s5], $0x2800  }
0x10: {  	_ =	swait.ge [sflag:s12], $0x2800  }
0x11: {  	s13 =	sadd.s32 $0x0, s10;
	[sflag:s12] =	ssyncset.done $0x0  }
0x12: {  	p0 =	sgt.u32 s13, $0x270;
	[sflag:s12] =	ssyncadd.s32 $0xFFFFD800  }
0x13: {  	s13 =	simm.s32 @!p0 $0x0;
	s14 =	simm.s32 @!p0 $0x3;
	[bflag:$0x0] =	sbarrier.arrive $0xFFFF  }
0x14: {  	[tilespmem:s13], [sflag:$0x3] =	stream.linear.gather @!p0 [hbm4b:s9+s13], $0x400, $0x38;
	[tilespmem:$0x1C400] =	vst v63  }
0x15: {  	_ =	swait.ge @!p0 [sflag:s14], $0x400  }
0x16: {  	[sflag:s14] =	ssyncset.done @!p0 $0x0;
	p0 =	por p0, p0  }
0x17: {  	[sflag:s14] =	ssyncadd.s32 @!p0 $0xFFFFFC00;
	s15 =	simm.s32 @!p0 $0x80;
	s16 =	simm.s32 @!p0 $0x400  }
0x18: {  	[tilespmem:s16], [sflag:$0x1] =	stream.indirect.gather @!p0 [hbm4b:s1+s15], $0x80, s13, s15, $0xb8;
	[tilespmem:$0x1C400] =	vst v63  }
0x19: {  	s17 =	simm.s32 @!p0 $0x4400;
	s18 =	simm.s32 @!p0 $0x1;
	s13 =	simm.s32 @!p0 $0x100  }
0x1a: {  	[tilespmem:s17], [sflag:$0x1] =	stream.indirect.gather @!p0 [hbm4b:s1+s15], $0x80, s13, s15, $0xb8;
	[tilespmem:$0x1C400] =	vst v63  }
0x1b: {  	_ =	swait.ge @!p0 [sflag:s18], $0x4000  }
0x1c: {  	[sflag:s18] =	ssyncset.done @!p0 $0x0  }
0x1d: {  	[sflag:s18] =	ssyncadd.s32 @!p0 $0xFFFFC000  }
0x1e: {  	[spmem:s3] =	stream.indirect.scatter.add.f32 @!p0 [tilespmem:s16], [sflag:$0x3], $0x80, s15, s15, $0xb8;
	[tilespmem:$0x1C400] =	vst v63  }
0x1f: {  	_ =	swait.ge @!p0 [sflag:s14], $0x4000  }
0x20: {  	[sflag:s14] =	ssyncset.done @!p0 $0x0  }
0x21: {  	s13 =	simm.s32 @!p0 $0x200;
	[sflag:s14] =	ssyncadd.s32 @!p0 $0xFFFFC000  }
0x22: {  	[tilespmem:s16], [sflag:$0x1] =	stream.indirect.gather @!p0 [hbm4b:s1+s15], $0x80, s13, s15, $0xb8;
	[tilespmem:$0x1C400] =	vst v63  }
0x23: {  	_ =	swait.ge @!p0 [sflag:s18], $0x4000  }
0x24: {  	[sflag:s18] =	ssyncset.done @!p0 $0x0  }
0x25: {  	s13 =	simm.s32 @!p0 $0x180;
	[sflag:s18] =	ssyncadd.s32 @!p0 $0xFFFFC000  }
0x26: {  	[spmem:s3] =	stream.indirect.scatter.add.f32 @!p0 [tilespmem:s17], [sflag:$0x3], $0x80, s13, s15, $0xb8;
	[tilespmem:$0x1C400] =	vst v63  }
0x27: {  	_ =	swait.ge @!p0 [sflag:s14], $0x4000  }
0x28: {  	[sflag:s14] =	ssyncset.done @!p0 $0x0  }
0x29: {  	s13 =	simm.s32 @!p0 $0x300;
	[sflag:s14] =	ssyncadd.s32 @!p0 $0xFFFFC000  }
0x2a: {  	[tilespmem:s17], [sflag:$0x1] =	stream.indirect.gather @!p0 [hbm4b:s1+s15], $0x80, s13, s15, $0xb8;
	[tilespmem:$0x1C400] =	vst v63  }
0x2b: {  	_ =	swait.ge @!p0 [sflag:s18], $0x4000  }
0x2c: {  	[sflag:s18] =	ssyncset.done @!p0 $0x0  }
0x2d: {  	s13 =	simm.s32 @!p0 $0x280;
	[sflag:s18] =	ssyncadd.s32 @!p0 $0xFFFFC000  }
0x2e: {  	[spmem:s3] =	stream.indirect.scatter.add.f32 @!p0 [tilespmem:s16], [sflag:$0x3], $0x80, s13, s15, $0xb8;
	[tilespmem:$0x1C400] =	vst v63  }
0x2f: {  	_ =	swait.ge @!p0 [sflag:s14], $0x4000  }
0x30: {  	[sflag:s14] =	ssyncset.done @!p0 $0x0  }
0x31: {  	[sflag:s14] =	ssyncadd.s32 @!p0 $0xFFFFC000  }
0x32: {  	_ =	swait.ge @!p0 [sflag:s18], $0x4000  }
0x33: {  	s31 =	sadd.s32 $0x20, s10;
	[sflag:s18] =	ssyncset.done @!p0 $0x0  }
0x34: {  	s19 =	simm.s32 @!p0 $0x2;
	s13 =	simm.s32 @!p0 $0x380;
	[sflag:s18] =	ssyncadd.s32 @!p0 $0xFFFFC000  }
0x35: {  	[spmem:s3] =	stream.indirect.scatter.add.f32 @!p0 [tilespmem:s17], [sflag:$0x2], $0x80, s13, s15, $0xb8;
	[tilespmem:$0x1C400] =	vst v63  }
0x36: {  	p2 =	sgt.u32 s31, $0x270;
	_ =	swait.ge @!p0 [sflag:s19], $0x4000  }
0x37: {  	s14 =	sadd.s32 $0x1000, s9;
	s13 =	simm.s32 $0x40;
	[sflag:s19] =	ssyncset.done @!p0 $0x0  }
.LBB2_2:
0x38: {  	s18 =	simm.s32 @!p2 $0x0;
	s16 =	simm.s32 @!p2 $0x3;
	[sflag:s19] =	ssyncadd.s32 @!p0 $0xFFFFC000  }
0x39: {  	[tilespmem:s18], [sflag:$0x3] =	stream.linear.gather @!p2 [hbm4b:s14+s18], $0x400, $0x38;
	[tilespmem:$0x1C400] =	vst v63  }
0x3a: {  	s15 =	smov.u32 s13;
	s13 =	sadd.s32 $0x20, s13;
	_ =	swait.ge @!p2 [sflag:s16], $0x400  }
0x3b: {  	p0 =	por p2, p2;
	p1 =	sne.s32 s13, $0x280;
	[sflag:s16] =	ssyncset.done @!p2 $0x0  }
0x3c: {  	s17 =	simm.s32 @!p0 $0x80;
	s19 =	simm.s32 @!p0 $0x400;
	[sflag:s16] =	ssyncadd.s32 @!p0 $0xFFFFFC00  }
0x3d: {  	[tilespmem:s19], [sflag:$0x1] =	stream.indirect.gather @!p0 [hbm4b:s1+s17], $0x80, s18, s17, $0xb8;
	[tilespmem:$0x1C400] =	vst v63  }
0x3e: {  	s20 =	simm.s32 @!p0 $0x100;
	s21 =	simm.s32 @!p0 $0x1;
	s18 =	simm.s32 @!p0 $0x4400  }
0x3f: {  	[tilespmem:s18], [sflag:$0x1] =	stream.indirect.gather @!p0 [hbm4b:s1+s17], $0x80, s20, s17, $0xb8;
	[tilespmem:$0x1C400] =	vst v63  }
0x40: {  	_ =	swait.ge @!p0 [sflag:s21], $0x4000  }
0x41: {  	[sflag:s21] =	ssyncset.done @!p0 $0x0  }
0x42: {  	[sflag:s21] =	ssyncadd.s32 @!p0 $0xFFFFC000  }
0x43: {  	[spmem:s3] =	stream.indirect.scatter.add.f32 @!p0 [tilespmem:s19], [sflag:$0x3], $0x80, s17, s17, $0xb8;
	[tilespmem:$0x1C400] =	vst v63  }
0x44: {  	_ =	swait.ge @!p0 [sflag:s16], $0x4000  }
0x45: {  	[sflag:s16] =	ssyncset.done @!p0 $0x0  }
0x46: {  	s20 =	simm.s32 @!p0 $0x200;
	[sflag:s16] =	ssyncadd.s32 @!p0 $0xFFFFC000  }
0x47: {  	[tilespmem:s19], [sflag:$0x1] =	stream.indirect.gather @!p0 [hbm4b:s1+s17], $0x80, s20, s17, $0xb8;
	[tilespmem:$0x1C400] =	vst v63  }
0x48: {  	_ =	swait.ge @!p0 [sflag:s21], $0x4000  }
0x49: {  	[sflag:s21] =	ssyncset.done @!p0 $0x0  }
0x4a: {  	s20 =	simm.s32 @!p0 $0x180;
	[sflag:s21] =	ssyncadd.s32 @!p0 $0xFFFFC000  }
0x4b: {  	[spmem:s3] =	stream.indirect.scatter.add.f32 @!p0 [tilespmem:s18], [sflag:$0x3], $0x80, s20, s17, $0xb8;
	[tilespmem:$0x1C400] =	vst v63  }
0x4c: {  	_ =	swait.ge @!p0 [sflag:s16], $0x4000  }
0x4d: {  	[sflag:s16] =	ssyncset.done @!p0 $0x0  }
0x4e: {  	s20 =	simm.s32 @!p0 $0x300;
	[sflag:s16] =	ssyncadd.s32 @!p0 $0xFFFFC000  }
0x4f: {  	[tilespmem:s18], [sflag:$0x1] =	stream.indirect.gather @!p0 [hbm4b:s1+s17], $0x80, s20, s17, $0xb8;
	[tilespmem:$0x1C400] =	vst v63  }
0x50: {  	_ =	swait.ge @!p0 [sflag:s21], $0x4000  }
0x51: {  	[sflag:s21] =	ssyncset.done @!p0 $0x0  }
0x52: {  	s20 =	simm.s32 @!p0 $0x280;
	[sflag:s21] =	ssyncadd.s32 @!p0 $0xFFFFC000  }
0x53: {  	[spmem:s3] =	stream.indirect.scatter.add.f32 @!p0 [tilespmem:s19], [sflag:$0x3], $0x80, s20, s17, $0xb8;
	[tilespmem:$0x1C400] =	vst v63  }
0x54: {  	_ =	swait.ge @!p0 [sflag:s16], $0x4000  }
0x55: {  	[sflag:s16] =	ssyncset.done @!p0 $0x0  }
0x56: {  	[sflag:s16] =	ssyncadd.s32 @!p0 $0xFFFFC000  }
0x57: {  	_ =	swait.ge @!p0 [sflag:s21], $0x4000  }
.Ltmp0:
0x58: {  	[sflag:s21] =	ssyncset.done @!p0 $0x0;
	(pc) =	sbr.rel @p1 .LBB2_2-.Ltmp0, $4  }
0x59: {  	s19 =	simm.s32 @!p0 $0x2;
	s16 =	simm.s32 @!p0 $0x380;
	[sflag:s21] =	ssyncadd.s32 @!p0 $0xFFFFC000  }
0x5a: {  	[spmem:s3] =	stream.indirect.scatter.add.f32 @!p0 [tilespmem:s18], [sflag:$0x2], $0x80, s16, s17, $0xb8;
	[tilespmem:$0x1C400] =	vst v63  }
0x5b: {  	s15 =	sadd.s32 s15, s10;
	_ =	swait.ge @!p0 [sflag:s19], $0x4000  }
0x5c: {  	s14 =	sadd.s32 $0x1000, s14;
	p2 =	sgt.u32 s15, $0x270;
	[sflag:s19] =	ssyncset.done @!p0 $0x0  }
0x5d: {  	s13 =	simm.s32 @!p2 $0x0;
	s15 =	simm.s32 @!p2 $0x3;
	[sflag:s19] =	ssyncadd.s32 @!p0 $0xFFFFC000  }
0x5e: {  	[tilespmem:s13], [sflag:$0x3] =	stream.linear.gather @!p2 [hbm4b:s14+s13], $0x400, $0x38;
	[tilespmem:$0x1C400] =	vst v63  }
0x5f: {  	_ =	swait.ge @!p2 [sflag:s15], $0x400  }
0x60: {  	p0 =	por p2, p2;
	[sflag:s15] =	ssyncset.done @!p2 $0x0  }
0x61: {  	s14 =	simm.s32 @!p0 $0x80;
	s16 =	simm.s32 @!p0 $0x400;
	[sflag:s15] =	ssyncadd.s32 @!p0 $0xFFFFFC00  }
0x62: {  	[tilespmem:s16], [sflag:$0x1] =	stream.indirect.gather @!p0 [hbm4b:s1+s14], $0x80, s13, s14, $0xb8;
	[tilespmem:$0x1C400] =	vst v63  }
0x63: {  	s17 =	simm.s32 @!p0 $0x4400;
	s18 =	simm.s32 @!p0 $0x1;
	s13 =	simm.s32 @!p0 $0x100  }
0x64: {  	[tilespmem:s17], [sflag:$0x1] =	stream.indirect.gather @!p0 [hbm4b:s1+s14], $0x80, s13, s14, $0xb8;
	[tilespmem:$0x1C400] =	vst v63  }
0x65: {  	_ =	swait.ge @!p0 [sflag:s18], $0x4000  }
0x66: {  	[sflag:s18] =	ssyncset.done @!p0 $0x0  }
0x67: {  	[sflag:s18] =	ssyncadd.s32 @!p0 $0xFFFFC000  }
0x68: {  	[spmem:s3] =	stream.indirect.scatter.add.f32 @!p0 [tilespmem:s16], [sflag:$0x3], $0x80, s14, s14, $0xb8;
	[tilespmem:$0x1C400] =	vst v63  }
0x69: {  	_ =	swait.ge @!p0 [sflag:s15], $0x4000  }
0x6a: {  	[sflag:s15] =	ssyncset.done @!p0 $0x0  }
0x6b: {  	s13 =	simm.s32 @!p0 $0x200;
	[sflag:s15] =	ssyncadd.s32 @!p0 $0xFFFFC000  }
0x6c: {  	[tilespmem:s16], [sflag:$0x1] =	stream.indirect.gather @!p0 [hbm4b:s1+s14], $0x80, s13, s14, $0xb8;
	[tilespmem:$0x1C400] =	vst v63  }
0x6d: {  	_ =	swait.ge @!p0 [sflag:s18], $0x4000  }
0x6e: {  	[sflag:s18] =	ssyncset.done @!p0 $0x0  }
0x6f: {  	s13 =	simm.s32 @!p0 $0x180;
	[sflag:s18] =	ssyncadd.s32 @!p0 $0xFFFFC000  }
0x70: {  	[spmem:s3] =	stream.indirect.scatter.add.f32 @!p0 [tilespmem:s17], [sflag:$0x3], $0x80, s13, s14, $0xb8;
	[tilespmem:$0x1C400] =	vst v63  }
0x71: {  	_ =	swait.ge @!p0 [sflag:s15], $0x4000  }
0x72: {  	[sflag:s15] =	ssyncset.done @!p0 $0x0  }
0x73: {  	s13 =	simm.s32 @!p0 $0x300;
	[sflag:s15] =	ssyncadd.s32 @!p0 $0xFFFFC000  }
0x74: {  	[tilespmem:s17], [sflag:$0x1] =	stream.indirect.gather @!p0 [hbm4b:s1+s14], $0x80, s13, s14, $0xb8;
	[tilespmem:$0x1C400] =	vst v63  }
0x75: {  	_ =	swait.ge @!p0 [sflag:s18], $0x4000  }
0x76: {  	[sflag:s18] =	ssyncset.done @!p0 $0x0  }
0x77: {  	s13 =	simm.s32 @!p0 $0x280;
	[sflag:s18] =	ssyncadd.s32 @!p0 $0xFFFFC000  }
0x78: {  	[spmem:s3] =	stream.indirect.scatter.add.f32 @!p0 [tilespmem:s16], [sflag:$0x3], $0x80, s13, s14, $0xb8;
	[tilespmem:$0x1C400] =	vst v63  }
0x79: {  	_ =	swait.ge @!p0 [sflag:s15], $0x4000  }
0x7a: {  	[sflag:s15] =	ssyncset.done @!p0 $0x0  }
0x7b: {  	[sflag:s15] =	ssyncadd.s32 @!p0 $0xFFFFC000  }
0x7c: {  	_ =	swait.ge @!p0 [sflag:s18], $0x4000  }
0x7d: {  	[sflag:s18] =	ssyncset.done @!p0 $0x0  }
0x7e: {  	s13 =	simm.s32 @!p0 $0x380;
	s15 =	simm.s32 @!p0 $0x2;
	[sflag:s18] =	ssyncadd.s32 @!p0 $0xFFFFC000  }
0x7f: {  	[spmem:s3] =	stream.indirect.scatter.add.f32 @!p0 [tilespmem:s17], [sflag:$0x2], $0x80, s13, s14, $0xb8;
	[tilespmem:$0x1C400] =	vst v63  }
0x80: {  	_ =	swait.ge @!p0 [sflag:s15], $0x4000  }
0x81: {  	s4 =	sadd.s32 $0x1, s4;
	[sflag:s15] =	ssyncset.done @!p0 $0x0  }
0x82: {  	[sflag:s15] =	ssyncadd.s32 @!p0 $0xFFFFC000;
	p0 =	sne.s32 s4, s8  }
.Ltmp1:
0x83: {  	[bflag:$0x0] =	sbarrier.arrive $0xFFFF;
	(pc) =	sbr.rel @p0 .LBB2_1-.Ltmp1, $4  }
0x84: {  	[hbm:s7], [sflag:s6] =	dma.local [spmem:s11], $0x2800  }
0x85: {  	_ =	swait.ge [sflag:s12], $0x2800  }
0x86: {  	[sflag:s12] =	ssyncset.done $0x0  }
0x87: {  	[sflag:s12] =	ssyncadd.s32 $0xFFFFD800  }
0x88: {  	_ =	sfence.sel $0x180000  }
0x89: {  	[bflag:$0x0] =	sbarrier.arrive $0xFFFF  }
0x8a: {  	p0 =	sne.s32 s2, $0x0;
	_ =	strace $0x9000004A  }
0x8b: {  	s0 =	sadd.s32 @!p0 $0x100000, s0;
	[bflag:$0x2] =	sbarrier.arrive $0xFFFF  }
0x8c: {  	[sflag:s0] =	ssyncadd.tile.s32 @!p0 $0x1;
	_ =	shalt  }
.Lfunc_end2:
_tile_overlayer_lowered:
.L_overlay_start_2:
0x8d: {  	(tag) =	ssettag $0x2  }
0x8e: {  	s0 =	rddreg [dreg:$0x0];
	s2 =	stileid.u32  }
0x8f: {  	s1 =	rddreg [dreg:$0x1];
	p0 =	sne.s32 s2, $0x0  }
0x90: {  	s3 =	rddreg [dreg:$0x2];
	[bflag:$0x3] =	sbarrier.arrive $0xFFFF;
	s2 =	simm.s32 @!p0 $0x1C02  }
0x91: {  	[timem:s3], [sflag:s2] =	dma.local @!p0 [hbm:s0], s1  }
0x92: {  	s0 =	simm.s32 @!p0 $0x2  }
0x93: {  	_ =	swait.ge @!p0 [sflag:s0], s1  }
0x94: {  	s1 =	ssub.s32 @!p0 $0x0, s1;
	[sflag:s0] =	ssyncset.done @!p0 $0x0  }
0x95: {  	[sflag:s0] =	ssyncadd.s32 @!p0 s1  }
0x96: {  	[bflag:$0x3] =	sbarrier.arrive $0xFFFF  }
0x97: {  	_ =	shalt  }

// kernel: kernel.7.cloned.1.call-start
scs
__scs_entry_jumppad:
0x0: {  	(pc) =	sbr.rel $0x88, $3  }
0x1: {  	(tag) =	ssettag $0x0;
	lr =	simm.s32 $0x1  }
0x2: {  	[smem:$0x3F93] =	sst lr;
	_ =	strace $0xD0000000  }
0x3: {  	_ = 	snop  }
0x4: {  	_ = 	snop  }
0x5: {  	_ = 	snop  }
0x6: {  	_ = 	snop  }
0x7: {  	_ = 	snop  }
__scs_overlays_trampoline_lowered:
0x8: {  	[smem:$0x3FA2] =	sst s0  }
0x9: {  	[smem:$0x3FA3] =	sst s1  }
0xa: {  	[smem:$0x3FA4] =	sst s2  }
0xb: {  	[smem:$0x3FA5] =	sst s3  }
0xc: {  	[smem:$0x3FA6] =	sst s4  }
0xd: {  	[smem:$0x3FA7] =	sst s5  }
0xe: {  	[smem:$0x3FA8] =	sst s6  }
0xf: {  	[smem:$0x3FA9] =	sst s7  }
0x10: {  	[smem:$0x3FAA] =	sst s8  }
0x11: {  	[smem:$0x3FAB] =	sst s9;
	s0 =	simm.s32 @!p0 $0x0  }
0x12: {  	s1 =	sld [smem:$0x3F91];
	s0 =	simm.s32 @p0 $0x1  }
0x13: {  	[smem:$0x3FAC] =	sst s0;
	s0 =	simm.s32 @!p1 $0x0  }
0x14: {  	s2 =	sld [smem:$0x3F90];
	s0 =	simm.s32 @p1 $0x1  }
0x15: {  	[smem:$0x3FAD] =	sst s0;
	s0 =	simm.s32 @!p2 $0x0  }
0x16: {  	s3 =	sld [smem:$0x3FDB];
	s0 =	simm.s32 @p2 $0x1  }
0x17: {  	s4 =	simm.s32 $0x1BF5;
	[smem:$0x3FAF] =	sst s0  }
0x18: {  	s0 =	sld [smem:$0x3F92];
	_ =	swait.ge [sflag:s4], $0x0  }
0x19: {  	s7 =	sld [smem:$0x3F93]  }
0x1a: {  	s8 =	sadd.s32 $0xFFFFE003, lr  }
0x1b: {  	s9 =	sadd.s32 $0xFFFFFEF7, lr;
	s5 =	simm.s32 $0xFFFFFFFF;
	p2 =	slt.u32 s8, $0xFFFFF086  }
0x1c: {  	p1 =	slt.u32 s9, $0xF7A;
	s5 =	simm.s32 @!p2 $0x0  }
0x1d: {  	s5 =	simm.s32 @p1 $0x1;
	p0 =	seq.s32 s7, s2  }
0x1e: {  	s7 =	smul.u32 @!p0 $0xF7A, s2;
	p2 =	seq.s32 @!p0 s5, $0x0  }
0x1f: {  	s9 =	smul.u32 $0xF7A, s1;
	s8 =	simm.s32 @!p0 $0x1BF5;
	p2 =	por !p2, p0  }
0x20: {  	[sflag:s8] =	ssyncset.s32 @!p0 $0xFFFFF086;
	s6 =	sadd.s32 @!p0 s3, s7;
	s7 =	simm.s32 @!p0 $0x108  }
0x21: {  	s3 =	sadd.s32 s3, s9;
	s6 =	sadd.s32 @!p0 $0x88, s6;
	s7 =	simm.s32 @p2 $0x1082  }
0x22: {  	[simem:s7], [sflag:s8] =	dma.local @!p0 [hbm:s6], $0xF7A  }
0x23: {  	s9 =	sor.u32 $0xD0000000, s2;
	s6 =	simm.s32 $0x108;
	_ =	swait.ge @!p0 [sflag:s8], $0x0  }
0x24: {  	s3 =	sadd.s32 $0x88, s3;
	s6 =	simm.s32 @!p1 $0x1082;
	[sflag:s4] =	ssyncset.s32 $0xFFFFF086  }
0x25: {  	[simem:s6], [sflag:s4] =	dma.local [hbm:s3], $0xF7A  }
0x26: {  	[smem:$0x3F93] =	sst s1;
	(tag) =	ssettag s2;
	_ =	strace s9  }
0x27: {  	s1 =	sld [smem:$0x3FA3]  }
0x28: {  	s2 =	sld [smem:$0x3FA4]  }
0x29: {  	s4 =	sld [smem:$0x3FA6]  }
0x2a: {  	p0 =	seq.s32 s5, $0x0;
	s5 =	sld [smem:$0x3FA7]  }
0x2b: {  	s6 =	sld [smem:$0x3FA8]  }
0x2c: {  	s7 =	sld [smem:$0x3FA9]  }
0x2d: {  	s3 =	simm.s32 $0x108;
	s8 =	sld [smem:$0x3FAA]  }
0x2e: {  	s3 =	simm.s32 @!p0 $0x1082;
	s9 =	sld [smem:$0x3FAB]  }
0x2f: {  	lr =	sadd.s32 s0, s3;
	s0 =	sld [smem:$0x3FA2]  }
0x30: {  	s3 =	sld [smem:$0x3FA5]  }
0x31: {  	[smem:$0x3FAE] =	sst s10  }
0x32: {  	s10 =	sld [smem:$0x3FAC];
	_ =	sdelay $0x3  }
0x33: {  	p0 =	seq.s32 s10, $0x1;
	s10 =	sld [smem:$0x3FAE];
	_ =	sdelay $0x3  }
0x34: {  	[smem:$0x3FAE] =	sst s10  }
0x35: {  	s10 =	sld [smem:$0x3FAD];
	_ =	sdelay $0x3  }
0x36: {  	p1 =	seq.s32 s10, $0x1;
	s10 =	sld [smem:$0x3FAE];
	_ =	sdelay $0x3  }
0x37: {  	[smem:$0x3FAE] =	sst s10  }
0x38: {  	s10 =	sld [smem:$0x3FAF]  }
0x39: {  	_ = 	snop;
	(pc) =	sbr.ind lr, $3  }
0x3a: {  	_ = 	snop  }
0x3b: {  	_ = 	snop  }
0x3c: {  	p2 =	seq.s32 s10, $0x1;
	s10 =	sld [smem:$0x3FAE]  }
0x3d: {  	_ =	shalt  }
0x3e: {  	_ =	shalt  }
0x3f: {  	_ =	shalt  }
0x40: {  	_ =	shalt  }
0x41: {  	_ =	shalt  }
0x42: {  	_ =	shalt  }
0x43: {  	_ =	shalt  }
0x44: {  	_ =	shalt  }
0x45: {  	_ =	shalt  }
0x46: {  	_ =	shalt  }
0x47: {  	_ =	shalt  }
0x48: {  	_ =	shalt  }
0x49: {  	_ =	shalt  }
0x4a: {  	_ =	shalt  }
0x4b: {  	_ =	shalt  }
0x4c: {  	_ =	shalt  }
0x4d: {  	_ =	shalt  }
0x4e: {  	_ =	shalt  }
0x4f: {  	_ =	shalt  }
0x50: {  	_ =	shalt  }
0x51: {  	_ =	shalt  }
0x52: {  	_ =	shalt  }
0x53: {  	_ =	shalt  }
0x54: {  	_ =	shalt  }
0x55: {  	_ =	shalt  }
0x56: {  	_ =	shalt  }
0x57: {  	_ =	shalt  }
0x58: {  	_ =	shalt  }
0x59: {  	_ =	shalt  }
0x5a: {  	_ =	shalt  }
0x5b: {  	_ =	shalt  }
0x5c: {  	_ =	shalt  }
0x5d: {  	_ =	shalt  }
0x5e: {  	_ =	shalt  }
0x5f: {  	_ =	shalt  }
0x60: {  	_ =	shalt  }
0x61: {  	_ =	shalt  }
0x62: {  	_ =	shalt  }
0x63: {  	_ =	shalt  }
0x64: {  	_ =	shalt  }
0x65: {  	_ =	shalt  }
0x66: {  	_ =	shalt  }
0x67: {  	_ =	shalt  }
0x68: {  	_ =	shalt  }
0x69: {  	_ =	shalt  }
0x6a: {  	_ =	shalt  }
0x6b: {  	_ =	shalt  }
0x6c: {  	_ =	shalt  }
0x6d: {  	_ =	shalt  }
0x6e: {  	_ =	shalt  }
0x6f: {  	_ =	shalt  }
0x70: {  	_ =	shalt  }
0x71: {  	_ =	shalt  }
0x72: {  	_ =	shalt  }
0x73: {  	_ =	shalt  }
0x74: {  	_ =	shalt  }
0x75: {  	_ =	shalt  }
0x76: {  	_ =	shalt  }
0x77: {  	_ =	shalt  }
0x78: {  	_ =	shalt  }
0x79: {  	_ =	shalt  }
0x7a: {  	_ =	shalt  }
0x7b: {  	_ =	shalt  }
0x7c: {  	_ =	shalt  }
0x7d: {  	_ =	shalt  }
0x7e: {  	_ =	shalt  }
0x7f: {  	_ =	shalt  }
0x80: {  	_ =	shalt  }
0x81: {  	_ =	shalt  }
0x82: {  	_ =	shalt  }
0x83: {  	_ =	shalt  }
0x84: {  	_ =	shalt  }
0x85: {  	_ =	shalt  }
0x86: {  	_ =	shalt  }
0x87: {  	_ =	shalt  }
.Lfunc_end0:
.L_simem_size_0:
called_computation_lowered:
.L_overlay_start_0:
0x88: {  	s2 =	sld [smem:$0x3FD9]  }
0x89: {  	s3 =	sld [smem:$0x3FFE];
	_ =	sdelay $0x1  }
0x8a: {  	s1 =	srdreg.scid  }
0x8b: {  	s0 =	sand.u32 $0x1, s1  }
0x8c: {  	s17 =	sshll.u32 s0, $0xA;
	s2 =	sadd.s32 s3, s2  }
0x8d: {  	s2 =	sadd.s32 s2, s17  }
0x8e: {  	[smem:$0x3FBA] =	sst s2  }
0x8f: {  	_ = 	snop  }
0x90: {  	s2 =	sld [smem:$0x3FD0];
	(tm) =	ssettm $0x1  }
0x91: {  	s18 =	sld [smem:$0x3FFB];
	_ =	sdelay $0x3  }
0x92: {  	_ =	strace s18  }
0x93: {  	s3 =	sld [smem:$0x3FFC];
	_ =	sdelay $0x3  }
0x94: {  	_ =	strace s3  }
0x95: {  	s3 =	sld [smem:$0x3FFD];
	_ =	sdelay $0x3  }
0x96: {  	_ =	strace s3  }
0x97: {  	_ =	strace $0x8FFFFFFF  }
0x98: {  	s19 =	sld [smem:$0x3FDB];
	_ =	sdelay $0x1  }
0x99: {  	s4 =	simm.s32 $_scs_section_size  }
0x9a: {  	s5 =	simm.s32 $_size__tile_overlayer_lowered;
	s6 =	simm.s32 $_tile_overlayer_lowered  }
0x9b: {  	s22 =	simm.s32 $0x1BFF;
	s21 =	sshll.u32 s6, $0x1;
	s3 =	sadd.s32 s4, s19  }
0x9c: {  	s7 =	simm.s32 $0x0;
	s20 =	sshll.u32 s5, $0x1;
	s5 =	sadd.s32 s21, s3  }
0x9d: {  	[timem:s7], [sflag:s22] =	dma.local [hbm:s5], s20  }
0x9e: {  	_ =	swait.ge [sflag:s22], s20  }
0x9f: {  	s4 =	ssub.s32 $0x0, s20;
	[sflag:s22] =	ssyncset.done $0x0  }
0xa0: {  	[sflag:s22] =	ssyncadd.s32 s4;
	_ =	sdelay $0x1  }
0xa1: {  	s23 =	simm.s32 $0x1B8B  }
0xa2: {  	_ =	swait.ge [sflag:s23], $0x1  }
0xa3: {  	[sflag:s23] =	ssyncset.done $0x0  }
0xa4: {  	s25 =	simm.s32 $0x1B8E;
	s24 =	sld [smem:$0x3FFE];
	[sflag:s23] =	ssyncadd.s32 $0xFFFFFFFF  }
0xa5: {  	s26 =	simm.s32 $execute0_lowered;
	[smem:$0x3FD2] =	sst s25  }
0xa6: {  	s5 =	sshll.u32 s26, $0x1;
	_ =	strace $0x80000046;
	[dreg:$0x1] =	wrdreg $0xFFFFFFFF  }
0xa7: {  	s28 =	simm.s32 $_size_execute0_lowered;
	s3 =	sadd.s32 s3, s5;
	[dreg:$0x0] =	wrdreg $0x0  }
0xa8: {  	s5 =	sshll.u32 s28, $0x1;
	[dreg:$0x2] =	wrdreg s3  }
0xa9: {  	[dreg:$0x3] =	wrdreg s5  }
0xaa: {  	[dreg:$0x4] =	wrdreg $0xC0  }
0xab: {  	_ =	task [dreg:s7], $0x5FFFF  }
0xac: {  	[dreg:$0x1] =	wrdreg $0xFFFFFFFF  }
0xad: {  	[dreg:$0x0] =	wrdreg $0x60  }
0xae: {  	[dreg:$0x2] =	wrdreg s2  }
0xaf: {  	[dreg:$0x3] =	wrdreg s24  }
0xb0: {  	[dreg:$0x4] =	wrdreg $0x84000  }
0xb1: {  	[dreg:$0x5] =	wrdreg $0x9  }
0xb2: {  	_ =	task.clear_ibuf [dreg:s7], $0x6FFFF;
	_ =	strace $0x90000046  }
0xb3: {  	s29 =	simm.s32 $0x9;
	_ =	strace $0x80000048  }
0xb4: {  	_ =	swait.ge [sflag:s29], $0x1  }
0xb5: {  	[sflag:s29] =	ssyncadd.s32 $0xFFFFFFFF  }
0xb6: {  	_ =	strace $0x90000048  }
0xb7: {  	_ =	sfence  }
0xb8: {  	s30 =	sld [smem:$0x0];
	_ =	sdelay $0x2  }
0xb9: {  	s31 =	sshll.u32 s1, $0xD;
	s1 =	sshrl.u32 s1, $0x2  }
0xba: {  	s3 =	sand.u32 $0x4000, s31;
	s1 =	sadd.s32 s1, s30  }
0xbb: {  	s0 =	sor.u32 s3, s0;
	s1 =	sshll.u32 s1, $0x11  }
0xbc: {  	s0 =	sor.u32 s1, s0  }
0xbd: {  	s0 =	sadd.s32 $0x8F2B, s0  }
0xbe: {  	[sflag:s0] =	ssyncadd.remote.s32 $0x1  }
0xbf: {  	_ =	sfence.sel $0xFFFF  }
0xc0: {  	[dreg:$0x0] =	wrdreg $0xFFFFFFFF;
	(pc) =	sbr.abs _section_cstart, $3  }
0xc1: {  	[dreg:$0x1] =	wrdreg $0xFFFFFFFF  }
0xc2: {  	_ =	task.clear_ibuf [dreg:s7], $0x2FFFF;
	_ =	strace $0x9FFFFFFF  }
0xc3: {  	(tm) =	ssettm $0x7FFFFFFF  }
tec
execute0_lowered:
.L_overlay_start_1:
0x0: {  	(tag) =	ssettag $0x1  }
0x1: {  	s1 =	rddreg [dreg:$0x0]  }
0x2: {  	s6 =	rddreg [dreg:$0x1]  }
0x3: {  	s3 =	rddreg [dreg:$0x2]  }
0x4: {  	s0 =	rddreg [dreg:$0x3]  }
0x5: {  	s4 =	simm.s32 $0x0;
	s2 =	stileid.u32;
	s5 =	srdreg.scid  }
0x6: {  	[smem:$0x7FF] =	sst s4;
	s10 =	sand.u32 $0x1, s5;
	s7 =	smul.u32 $0x2800, s2  }
0x7: {  	s26 =	sshll.u32 s2, $0x8;
	s5 =	sadd.s32 $0x16600, s6;
	s12 =	smul.u32 $0x50000, s2  }
0x8: {  	s29 =	sshll.u32 s2, $0x1;
	s31 =	sshll.u32 s2, $0x6;
	_ =	strace $0x80000047  }
0x9: {  	s8 =	smul.u32 $0x28000, s10;
	s9 =	sadd.s32 s26, s6;
	s11 =	ssub.s32 $0x2, s10  }
0xa: {  	s13 =	sshll.u32 s10, $0x7;
	s10 =	sor.u32 s10, s29;
	s28 =	sshrl.u32 s11, $0x1  }
0xb: {  	s30 =	sshrl.u32 s12, $0x2;
	s9 =	sadd.s32 s13, s9;
	s12 =	simm.s32 $0x2  }
0xc: {  	s7 =	sadd.s32 s7, s8;
	s8 =	ssub.s32 s11, s28;
	s14 =	sadd.s32 s30, s3  }
0xd: {  	s9 =	sadd.s32 $0x2C00, s9;
	s7 =	sadd.s32 s7, s6;
	s6 =	sor.u32 $0x1C02, s31  }
0xe: {  	s8 =	smax.u32 s8, $0x1;
	s11 =	sshrl.u32 s14, $0x3;
	s7 =	sadd.s32 $0x18E00, s7  }
.LBB2_1:
0xf: {  	[spmem:s11], [sflag:s6] =	dma.local [hbm:s5], $0x2800  }
0x10: {  	_ =	swait.ge [sflag:s12], $0x2800  }
0x11: {  	s13 =	sadd.s32 $0x0, s10;
	[sflag:s12] =	ssyncset.done $0x0  }
0x12: {  	p0 =	sgt.u32 s13, $0x270;
	[sflag:s12] =	ssyncadd.s32 $0xFFFFD800  }
0x13: {  	s13 =	simm.s32 @!p0 $0x0;
	s14 =	simm.s32 @!p0 $0x3;
	[bflag:$0x0] =	sbarrier.arrive $0xFFFF  }
0x14: {  	[tilespmem:s13], [sflag:$0x3] =	stream.linear.gather @!p0 [hbm4b:s9+s13], $0x400, $0x38;
	[tilespmem:$0x1C400] =	vst v63  }
0x15: {  	_ =	swait.ge @!p0 [sflag:s14], $0x400  }
0x16: {  	[sflag:s14] =	ssyncset.done @!p0 $0x0;
	p0 =	por p0, p0  }
0x17: {  	[sflag:s14] =	ssyncadd.s32 @!p0 $0xFFFFFC00;
	s15 =	simm.s32 @!p0 $0x80;
	s16 =	simm.s32 @!p0 $0x400  }
0x18: {  	[tilespmem:s16], [sflag:$0x1] =	stream.indirect.gather @!p0 [hbm4b:s1+s15], $0x80, s13, s15, $0xb8;
	[tilespmem:$0x1C400] =	vst v63  }
0x19: {  	s17 =	simm.s32 @!p0 $0x4400;
	s18 =	simm.s32 @!p0 $0x1;
	s13 =	simm.s32 @!p0 $0x100  }
0x1a: {  	[tilespmem:s17], [sflag:$0x1] =	stream.indirect.gather @!p0 [hbm4b:s1+s15], $0x80, s13, s15, $0xb8;
	[tilespmem:$0x1C400] =	vst v63  }
0x1b: {  	_ =	swait.ge @!p0 [sflag:s18], $0x4000  }
0x1c: {  	[sflag:s18] =	ssyncset.done @!p0 $0x0  }
0x1d: {  	[sflag:s18] =	ssyncadd.s32 @!p0 $0xFFFFC000  }
0x1e: {  	[spmem:s3] =	stream.indirect.scatter.add.f32 @!p0 [tilespmem:s16], [sflag:$0x3], $0x80, s15, s15, $0xb8;
	[tilespmem:$0x1C400] =	vst v63  }
0x1f: {  	_ =	swait.ge @!p0 [sflag:s14], $0x4000  }
0x20: {  	[sflag:s14] =	ssyncset.done @!p0 $0x0  }
0x21: {  	s13 =	simm.s32 @!p0 $0x200;
	[sflag:s14] =	ssyncadd.s32 @!p0 $0xFFFFC000  }
0x22: {  	[tilespmem:s16], [sflag:$0x1] =	stream.indirect.gather @!p0 [hbm4b:s1+s15], $0x80, s13, s15, $0xb8;
	[tilespmem:$0x1C400] =	vst v63  }
0x23: {  	_ =	swait.ge @!p0 [sflag:s18], $0x4000  }
0x24: {  	[sflag:s18] =	ssyncset.done @!p0 $0x0  }
0x25: {  	s13 =	simm.s32 @!p0 $0x180;
	[sflag:s18] =	ssyncadd.s32 @!p0 $0xFFFFC000  }
0x26: {  	[spmem:s3] =	stream.indirect.scatter.add.f32 @!p0 [tilespmem:s17], [sflag:$0x3], $0x80, s13, s15, $0xb8;
	[tilespmem:$0x1C400] =	vst v63  }
0x27: {  	_ =	swait.ge @!p0 [sflag:s14], $0x4000  }
0x28: {  	[sflag:s14] =	ssyncset.done @!p0 $0x0  }
0x29: {  	s13 =	simm.s32 @!p0 $0x300;
	[sflag:s14] =	ssyncadd.s32 @!p0 $0xFFFFC000  }
0x2a: {  	[tilespmem:s17], [sflag:$0x1] =	stream.indirect.gather @!p0 [hbm4b:s1+s15], $0x80, s13, s15, $0xb8;
	[tilespmem:$0x1C400] =	vst v63  }
0x2b: {  	_ =	swait.ge @!p0 [sflag:s18], $0x4000  }
0x2c: {  	[sflag:s18] =	ssyncset.done @!p0 $0x0  }
0x2d: {  	s13 =	simm.s32 @!p0 $0x280;
	[sflag:s18] =	ssyncadd.s32 @!p0 $0xFFFFC000  }
0x2e: {  	[spmem:s3] =	stream.indirect.scatter.add.f32 @!p0 [tilespmem:s16], [sflag:$0x3], $0x80, s13, s15, $0xb8;
	[tilespmem:$0x1C400] =	vst v63  }
0x2f: {  	_ =	swait.ge @!p0 [sflag:s14], $0x4000  }
0x30: {  	[sflag:s14] =	ssyncset.done @!p0 $0x0  }
0x31: {  	[sflag:s14] =	ssyncadd.s32 @!p0 $0xFFFFC000  }
0x32: {  	_ =	swait.ge @!p0 [sflag:s18], $0x4000  }
0x33: {  	s31 =	sadd.s32 $0x20, s10;
	[sflag:s18] =	ssyncset.done @!p0 $0x0  }
0x34: {  	s19 =	simm.s32 @!p0 $0x2;
	s13 =	simm.s32 @!p0 $0x380;
	[sflag:s18] =	ssyncadd.s32 @!p0 $0xFFFFC000  }
0x35: {  	[spmem:s3] =	stream.indirect.scatter.add.f32 @!p0 [tilespmem:s17], [sflag:$0x2], $0x80, s13, s15, $0xb8;
	[tilespmem:$0x1C400] =	vst v63  }
0x36: {  	p2 =	sgt.u32 s31, $0x270;
	_ =	swait.ge @!p0 [sflag:s19], $0x4000  }
0x37: {  	s14 =	sadd.s32 $0x1000, s9;
	s13 =	simm.s32 $0x40;
	[sflag:s19] =	ssyncset.done @!p0 $0x0  }
.LBB2_2:
0x38: {  	s18 =	simm.s32 @!p2 $0x0;
	s16 =	simm.s32 @!p2 $0x3;
	[sflag:s19] =	ssyncadd.s32 @!p0 $0xFFFFC000  }
0x39: {  	[tilespmem:s18], [sflag:$0x3] =	stream.linear.gather @!p2 [hbm4b:s14+s18], $0x400, $0x38;
	[tilespmem:$0x1C400] =	vst v63  }
0x3a: {  	s15 =	smov.u32 s13;
	s13 =	sadd.s32 $0x20, s13;
	_ =	swait.ge @!p2 [sflag:s16], $0x400  }
0x3b: {  	p0 =	por p2, p2;
	p1 =	sne.s32 s13, $0x280;
	[sflag:s16] =	ssyncset.done @!p2 $0x0  }
0x3c: {  	s17 =	simm.s32 @!p0 $0x80;
	s19 =	simm.s32 @!p0 $0x400;
	[sflag:s16] =	ssyncadd.s32 @!p0 $0xFFFFFC00  }
0x3d: {  	[tilespmem:s19], [sflag:$0x1] =	stream.indirect.gather @!p0 [hbm4b:s1+s17], $0x80, s18, s17, $0xb8;
	[tilespmem:$0x1C400] =	vst v63  }
0x3e: {  	s20 =	simm.s32 @!p0 $0x100;
	s21 =	simm.s32 @!p0 $0x1;
	s18 =	simm.s32 @!p0 $0x4400  }
0x3f: {  	[tilespmem:s18], [sflag:$0x1] =	stream.indirect.gather @!p0 [hbm4b:s1+s17], $0x80, s20, s17, $0xb8;
	[tilespmem:$0x1C400] =	vst v63  }
0x40: {  	_ =	swait.ge @!p0 [sflag:s21], $0x4000  }
0x41: {  	[sflag:s21] =	ssyncset.done @!p0 $0x0  }
0x42: {  	[sflag:s21] =	ssyncadd.s32 @!p0 $0xFFFFC000  }
0x43: {  	[spmem:s3] =	stream.indirect.scatter.add.f32 @!p0 [tilespmem:s19], [sflag:$0x3], $0x80, s17, s17, $0xb8;
	[tilespmem:$0x1C400] =	vst v63  }
0x44: {  	_ =	swait.ge @!p0 [sflag:s16], $0x4000  }
0x45: {  	[sflag:s16] =	ssyncset.done @!p0 $0x0  }
0x46: {  	s20 =	simm.s32 @!p0 $0x200;
	[sflag:s16] =	ssyncadd.s32 @!p0 $0xFFFFC000  }
0x47: {  	[tilespmem:s19], [sflag:$0x1] =	stream.indirect.gather @!p0 [hbm4b:s1+s17], $0x80, s20, s17, $0xb8;
	[tilespmem:$0x1C400] =	vst v63  }
0x48: {  	_ =	swait.ge @!p0 [sflag:s21], $0x4000  }
0x49: {  	[sflag:s21] =	ssyncset.done @!p0 $0x0  }
0x4a: {  	s20 =	simm.s32 @!p0 $0x180;
	[sflag:s21] =	ssyncadd.s32 @!p0 $0xFFFFC000  }
0x4b: {  	[spmem:s3] =	stream.indirect.scatter.add.f32 @!p0 [tilespmem:s18], [sflag:$0x3], $0x80, s20, s17, $0xb8;
	[tilespmem:$0x1C400] =	vst v63  }
0x4c: {  	_ =	swait.ge @!p0 [sflag:s16], $0x4000  }
0x4d: {  	[sflag:s16] =	ssyncset.done @!p0 $0x0  }
0x4e: {  	s20 =	simm.s32 @!p0 $0x300;
	[sflag:s16] =	ssyncadd.s32 @!p0 $0xFFFFC000  }
0x4f: {  	[tilespmem:s18], [sflag:$0x1] =	stream.indirect.gather @!p0 [hbm4b:s1+s17], $0x80, s20, s17, $0xb8;
	[tilespmem:$0x1C400] =	vst v63  }
0x50: {  	_ =	swait.ge @!p0 [sflag:s21], $0x4000  }
0x51: {  	[sflag:s21] =	ssyncset.done @!p0 $0x0  }
0x52: {  	s20 =	simm.s32 @!p0 $0x280;
	[sflag:s21] =	ssyncadd.s32 @!p0 $0xFFFFC000  }
0x53: {  	[spmem:s3] =	stream.indirect.scatter.add.f32 @!p0 [tilespmem:s19], [sflag:$0x3], $0x80, s20, s17, $0xb8;
	[tilespmem:$0x1C400] =	vst v63  }
0x54: {  	_ =	swait.ge @!p0 [sflag:s16], $0x4000  }
0x55: {  	[sflag:s16] =	ssyncset.done @!p0 $0x0  }
0x56: {  	[sflag:s16] =	ssyncadd.s32 @!p0 $0xFFFFC000  }
0x57: {  	_ =	swait.ge @!p0 [sflag:s21], $0x4000  }
.Ltmp0:
0x58: {  	[sflag:s21] =	ssyncset.done @!p0 $0x0;
	(pc) =	sbr.rel @p1 .LBB2_2-.Ltmp0, $4  }
0x59: {  	s19 =	simm.s32 @!p0 $0x2;
	s16 =	simm.s32 @!p0 $0x380;
	[sflag:s21] =	ssyncadd.s32 @!p0 $0xFFFFC000  }
0x5a: {  	[spmem:s3] =	stream.indirect.scatter.add.f32 @!p0 [tilespmem:s18], [sflag:$0x2], $0x80, s16, s17, $0xb8;
	[tilespmem:$0x1C400] =	vst v63  }
0x5b: {  	s15 =	sadd.s32 s15, s10;
	_ =	swait.ge @!p0 [sflag:s19], $0x4000  }
0x5c: {  	s14 =	sadd.s32 $0x1000, s14;
	p2 =	sgt.u32 s15, $0x270;
	[sflag:s19] =	ssyncset.done @!p0 $0x0  }
0x5d: {  	s13 =	simm.s32 @!p2 $0x0;
	s15 =	simm.s32 @!p2 $0x3;
	[sflag:s19] =	ssyncadd.s32 @!p0 $0xFFFFC000  }
0x5e: {  	[tilespmem:s13], [sflag:$0x3] =	stream.linear.gather @!p2 [hbm4b:s14+s13], $0x400, $0x38;
	[tilespmem:$0x1C400] =	vst v63  }
0x5f: {  	_ =	swait.ge @!p2 [sflag:s15], $0x400  }
0x60: {  	p0 =	por p2, p2;
	[sflag:s15] =	ssyncset.done @!p2 $0x0  }
0x61: {  	s14 =	simm.s32 @!p0 $0x80;
	s16 =	simm.s32 @!p0 $0x400;
	[sflag:s15] =	ssyncadd.s32 @!p0 $0xFFFFFC00  }
0x62: {  	[tilespmem:s16], [sflag:$0x1] =	stream.indirect.gather @!p0 [hbm4b:s1+s14], $0x80, s13, s14, $0xb8;
	[tilespmem:$0x1C400] =	vst v63  }
0x63: {  	s17 =	simm.s32 @!p0 $0x4400;
	s18 =	simm.s32 @!p0 $0x1;
	s13 =	simm.s32 @!p0 $0x100  }
0x64: {  	[tilespmem:s17], [sflag:$0x1] =	stream.indirect.gather @!p0 [hbm4b:s1+s14], $0x80, s13, s14, $0xb8;
	[tilespmem:$0x1C400] =	vst v63  }
0x65: {  	_ =	swait.ge @!p0 [sflag:s18], $0x4000  }
0x66: {  	[sflag:s18] =	ssyncset.done @!p0 $0x0  }
0x67: {  	[sflag:s18] =	ssyncadd.s32 @!p0 $0xFFFFC000  }
0x68: {  	[spmem:s3] =	stream.indirect.scatter.add.f32 @!p0 [tilespmem:s16], [sflag:$0x3], $0x80, s14, s14, $0xb8;
	[tilespmem:$0x1C400] =	vst v63  }
0x69: {  	_ =	swait.ge @!p0 [sflag:s15], $0x4000  }
0x6a: {  	[sflag:s15] =	ssyncset.done @!p0 $0x0  }
0x6b: {  	s13 =	simm.s32 @!p0 $0x200;
	[sflag:s15] =	ssyncadd.s32 @!p0 $0xFFFFC000  }
0x6c: {  	[tilespmem:s16], [sflag:$0x1] =	stream.indirect.gather @!p0 [hbm4b:s1+s14], $0x80, s13, s14, $0xb8;
	[tilespmem:$0x1C400] =	vst v63  }
0x6d: {  	_ =	swait.ge @!p0 [sflag:s18], $0x4000  }
0x6e: {  	[sflag:s18] =	ssyncset.done @!p0 $0x0  }
0x6f: {  	s13 =	simm.s32 @!p0 $0x180;
	[sflag:s18] =	ssyncadd.s32 @!p0 $0xFFFFC000  }
0x70: {  	[spmem:s3] =	stream.indirect.scatter.add.f32 @!p0 [tilespmem:s17], [sflag:$0x3], $0x80, s13, s14, $0xb8;
	[tilespmem:$0x1C400] =	vst v63  }
0x71: {  	_ =	swait.ge @!p0 [sflag:s15], $0x4000  }
0x72: {  	[sflag:s15] =	ssyncset.done @!p0 $0x0  }
0x73: {  	s13 =	simm.s32 @!p0 $0x300;
	[sflag:s15] =	ssyncadd.s32 @!p0 $0xFFFFC000  }
0x74: {  	[tilespmem:s17], [sflag:$0x1] =	stream.indirect.gather @!p0 [hbm4b:s1+s14], $0x80, s13, s14, $0xb8;
	[tilespmem:$0x1C400] =	vst v63  }
0x75: {  	_ =	swait.ge @!p0 [sflag:s18], $0x4000  }
0x76: {  	[sflag:s18] =	ssyncset.done @!p0 $0x0  }
0x77: {  	s13 =	simm.s32 @!p0 $0x280;
	[sflag:s18] =	ssyncadd.s32 @!p0 $0xFFFFC000  }
0x78: {  	[spmem:s3] =	stream.indirect.scatter.add.f32 @!p0 [tilespmem:s16], [sflag:$0x3], $0x80, s13, s14, $0xb8;
	[tilespmem:$0x1C400] =	vst v63  }
0x79: {  	_ =	swait.ge @!p0 [sflag:s15], $0x4000  }
0x7a: {  	[sflag:s15] =	ssyncset.done @!p0 $0x0  }
0x7b: {  	[sflag:s15] =	ssyncadd.s32 @!p0 $0xFFFFC000  }
0x7c: {  	_ =	swait.ge @!p0 [sflag:s18], $0x4000  }
0x7d: {  	[sflag:s18] =	ssyncset.done @!p0 $0x0  }
0x7e: {  	s13 =	simm.s32 @!p0 $0x380;
	s15 =	simm.s32 @!p0 $0x2;
	[sflag:s18] =	ssyncadd.s32 @!p0 $0xFFFFC000  }
0x7f: {  	[spmem:s3] =	stream.indirect.scatter.add.f32 @!p0 [tilespmem:s17], [sflag:$0x2], $0x80, s13, s14, $0xb8;
	[tilespmem:$0x1C400] =	vst v63  }
0x80: {  	_ =	swait.ge @!p0 [sflag:s15], $0x4000  }
0x81: {  	s4 =	sadd.s32 $0x1, s4;
	[sflag:s15] =	ssyncset.done @!p0 $0x0  }
0x82: {  	[sflag:s15] =	ssyncadd.s32 @!p0 $0xFFFFC000;
	p0 =	sne.s32 s4, s8  }
.Ltmp1:
0x83: {  	[bflag:$0x0] =	sbarrier.arrive $0xFFFF;
	(pc) =	sbr.rel @p0 .LBB2_1-.Ltmp1, $4  }
0x84: {  	[hbm:s7], [sflag:s6] =	dma.local [spmem:s11], $0x2800  }
0x85: {  	_ =	swait.ge [sflag:s12], $0x2800  }
0x86: {  	[sflag:s12] =	ssyncset.done $0x0  }
0x87: {  	[sflag:s12] =	ssyncadd.s32 $0xFFFFD800  }
0x88: {  	_ =	sfence.sel $0x180000  }
0x89: {  	[bflag:$0x0] =	sbarrier.arrive $0xFFFF  }
0x8a: {  	p0 =	sne.s32 s2, $0x0;
	_ =	strace $0x90000047  }
0x8b: {  	s0 =	sadd.s32 @!p0 $0x100000, s0;
	[bflag:$0x2] =	sbarrier.arrive $0xFFFF  }
0x8c: {  	[sflag:s0] =	ssyncadd.tile.s32 @!p0 $0x1;
	_ =	shalt  }
.Lfunc_end2:
_tile_overlayer_lowered:
.L_overlay_start_2:
0x8d: {  	(tag) =	ssettag $0x2  }
0x8e: {  	s0 =	rddreg [dreg:$0x0];
	s2 =	stileid.u32  }
0x8f: {  	s1 =	rddreg [dreg:$0x1];
	p0 =	sne.s32 s2, $0x0  }
0x90: {  	s3 =	rddreg [dreg:$0x2];
	[bflag:$0x3] =	sbarrier.arrive $0xFFFF;
	s2 =	simm.s32 @!p0 $0x1C02  }
0x91: {  	[timem:s3], [sflag:s2] =	dma.local @!p0 [hbm:s0], s1  }
0x92: {  	s0 =	simm.s32 @!p0 $0x2  }
0x93: {  	_ =	swait.ge @!p0 [sflag:s0], s1  }
0x94: {  	s1 =	ssub.s32 @!p0 $0x0, s1;
	[sflag:s0] =	ssyncset.done @!p0 $0x0  }
0x95: {  	[sflag:s0] =	ssyncadd.s32 @!p0 s1  }
0x96: {  	[bflag:$0x3] =	sbarrier.arrive $0xFFFF  }
0x97: {  	_ =	shalt  }

</sc_bundles>
